<compile_context>
chip_gen: v7x
topology: tpu7x:2x2x1
jax: 0.10.2.dev20260603
libtpu: 0.0.44.dev20260713+nightly
codegen_flags: <defaults>
</compile_context>

<pallas_src>
import functools

import jax
import jax.numpy as jnp
from jax import lax
from jax.experimental import pallas as pl
from jax.experimental.pallas import tpu as pltpu
from jax.experimental.pallas import tpu_sc as plsc

N_NODES = 10000
D = 128
H1 = 256
H2 = 128
N_EDGES = 320000

NPAD = 10240
ZROW = 10000
CHUNK = 128
NC, NS = 2, 16
NW = NC * NS
CPW = 80
EPW = CPW * CHUNK
EPAD = EPW * NW
RPS = NPAD // NS
HW = 128

def _mesh():
    return plsc.VectorSubcoreMesh(core_axis_name="c", subcore_axis_name="s")


def _sc_hist(dstm, oneshw, zeroshw):

    @functools.partial(
        pl.kernel,
        out_type=jax.ShapeDtypeStruct((2 * NPAD, HW), jnp.float32),
        mesh=_mesh(),
        scratch_types=[
            pltpu.VMEM((CPW, CHUNK), jnp.int32),
            pltpu.VMEM((CHUNK, HW), jnp.float32),
            pltpu.VMEM_SHARED((NPAD, HW), jnp.float32),
        ],
    )
    def k(dst_hbm, ones_hbm, z_hbm, out_hbm, idx_v, ones_v, hist_sp):
        c = lax.axis_index("c")
        s = lax.axis_index("s")
        wid = s * NC + c
        pltpu.sync_copy(z_hbm, hist_sp.at[pl.ds(s * RPS, RPS)])
        pltpu.sync_copy(ones_hbm, ones_v)
        pltpu.sync_copy(dst_hbm.at[pl.ds(wid * CPW, CPW)], idx_v)
        plsc.subcore_barrier()

        @pl.loop(0, CPW)
        def _(i):
            pltpu.sync_copy(ones_v, hist_sp.at[idx_v.at[i]], add=True)

        plsc.subcore_barrier()
        pltpu.sync_copy(
            hist_sp.at[pl.ds(s * RPS, RPS)],
            out_hbm.at[pl.ds(c * NPAD + s * RPS, RPS)],
        )

    return k(dstm, oneshw, zeroshw)


def _sc_seg(y, srcm, dstm, zeros128):

    @functools.partial(
        pl.kernel,
        out_type=jax.ShapeDtypeStruct((2 * NPAD, D), jnp.float32),
        mesh=_mesh(),
        scratch_types=[
            pltpu.VMEM((CPW, CHUNK), jnp.int32),
            pltpu.VMEM((CPW, CHUNK), jnp.int32),
            pltpu.VMEM((CHUNK, D), jnp.float32),
            pltpu.VMEM_SHARED((NPAD, D), jnp.float32),
        ],
    )
    def k(y_hbm, src_hbm, dst_hbm, z_hbm, out_hbm, si_v, di_v, rows_v, acc_sp):
        c = lax.axis_index("c")
        s = lax.axis_index("s")
        wid = s * NC + c
        pltpu.sync_copy(z_hbm, acc_sp.at[pl.ds(s * RPS, RPS)])
        pltpu.sync_copy(src_hbm.at[pl.ds(wid * CPW, CPW)], si_v)
        pltpu.sync_copy(dst_hbm.at[pl.ds(wid * CPW, CPW)], di_v)
        plsc.subcore_barrier()

        @pl.loop(0, CPW)
        def _(i):
            pltpu.sync_copy(y_hbm.at[si_v.at[i]], rows_v)
            pltpu.sync_copy(rows_v, acc_sp.at[di_v.at[i]], add=True)

        plsc.subcore_barrier()
        pltpu.sync_copy(
            acc_sp.at[pl.ds(s * RPS, RPS)],
            out_hbm.at[pl.ds(c * NPAD + s * RPS, RPS)],
        )

    return k(y, srcm, dstm, zeros128)


def _tc_matmul(x_pad, W):
    R = 512

    def body(xr, wr, outr):
        outr[...] = jnp.dot(xr[...], wr[...], preferred_element_type=jnp.float32)

    return pl.pallas_call(
        body,
        grid=(NPAD // R,),
        in_specs=[
            pl.BlockSpec((R, D), lambda i: (i, 0)),
            pl.BlockSpec((D, D), lambda i: (0, 0)),
        ],
        out_specs=pl.BlockSpec((R, D), lambda i: (i, 0)),
        out_shape=jax.ShapeDtypeStruct((NPAD, D), jnp.float32),
    )(x_pad, W)


def _tc_scale(h0, h1, xw):
    R = 512

    def body(h0r, h1r, xwr, yr):
        deg = h0r[...][:, :1] + h1r[...][:, :1] + 1.0
        yr[...] = xwr[...] * lax.rsqrt(deg)

    return pl.pallas_call(
        body,
        grid=(NPAD // R,),
        in_specs=[
            pl.BlockSpec((R, HW), lambda i: (i, 0)),
            pl.BlockSpec((R, HW), lambda i: (i, 0)),
            pl.BlockSpec((R, D), lambda i: (i, 0)),
        ],
        out_specs=pl.BlockSpec((R, D), lambda i: (i, 0)),
        out_shape=jax.ShapeDtypeStruct((NPAD, D), jnp.float32),
    )(h0, h1, xw)


def _tc_head(p0, p1, h0, h1, xw, x_pad, bg, W1, bb1, W2, bb2, W3p, bb3):
    R = 1024

    def body(p0r, p1r, h0r, h1r, xwr, xr, bgr, w1r, b1r, w2r, b2r, w3r, b3r, outr):
        deg = h0r[...][:, :1] + h1r[...][:, :1] + 1.0
        dinv = lax.rsqrt(deg)
        gcn = (p0r[...] + p1r[...]) * dinv + xwr[...] / deg + bgr[...]
        h = jnp.maximum(gcn, 0.0) + xr[...]
        a1 = jnp.maximum(
            jnp.dot(h, w1r[...], preferred_element_type=jnp.float32) + b1r[...], 0.0
        )
        a2 = jnp.maximum(
            jnp.dot(a1, w2r[...], preferred_element_type=jnp.float32) + b2r[...], 0.0
        )
        outr[...] = jnp.dot(a2, w3r[...], preferred_element_type=jnp.float32) + b3r[...]

    row = lambda i: (i, 0)
    rep = lambda i: (0, 0)
    return pl.pallas_call(
        body,
        grid=(NPAD // R,),
        in_specs=[
            pl.BlockSpec((R, D), row),
            pl.BlockSpec((R, D), row),
            pl.BlockSpec((R, HW), row),
            pl.BlockSpec((R, HW), row),
            pl.BlockSpec((R, D), row),
            pl.BlockSpec((R, D), row),
            pl.BlockSpec((1, D), rep),
            pl.BlockSpec((D, H1), rep),
            pl.BlockSpec((1, H1), rep),
            pl.BlockSpec((H1, H2), rep),
            pl.BlockSpec((1, H2), rep),
            pl.BlockSpec((H2, D), rep),
            pl.BlockSpec((1, D), rep),
        ],
        out_specs=pl.BlockSpec((R, D), row),
        out_shape=jax.ShapeDtypeStruct((NPAD, D), jnp.float32),
    )(p0, p1, h0, h1, xw, x_pad, bg, W1, bb1, W2, bb2, W3p, bb3)


def kernel(x, edge_index, W_gcn, b_gcn, W1, b1, W2, b2, W3, b3):
    src = edge_index[0].astype(jnp.int32)
    dst = edge_index[1].astype(jnp.int32)
    npe = EPAD - N_EDGES
    srcm = jnp.concatenate(
        [src, jnp.full((npe,), ZROW, jnp.int32)]
    ).reshape(NW * CPW, CHUNK)
    trash = N_NODES + (jnp.arange(npe, dtype=jnp.int32) % (NPAD - N_NODES))
    dstm = jnp.concatenate([dst, trash]).reshape(NW * CPW, CHUNK)

    oneshw = jnp.ones((CHUNK, HW), jnp.float32)
    zeroshw = jnp.zeros((RPS, HW), jnp.float32)
    zeros128 = jnp.zeros((RPS, D), jnp.float32)
    x_pad = jnp.pad(x, ((0, NPAD - N_NODES), (0, 0)))

    hist = _sc_hist(dstm, oneshw, zeroshw)
    h0, h1 = hist[:NPAD], hist[NPAD:]
    xw = _tc_matmul(x_pad, W_gcn)
    y = _tc_scale(h0, h1, xw)
    parts = _sc_seg(y, srcm, dstm, zeros128)

    W3p = jnp.pad(W3, ((0, 0), (0, D - 1)))
    bg = b_gcn.reshape(1, D)
    bb1 = b1.reshape(1, H1)
    bb2 = b2.reshape(1, H2)
    bb3 = jnp.pad(b3.reshape(1, 1), ((0, 0), (0, D - 1)))
    out_full = _tc_head(
        parts[:NPAD], parts[NPAD:], h0, h1, xw, x_pad, bg, W1, bb1, W2, bb2, W3p, bb3
    )
    return out_full[:N_NODES, :1]

# --- scband reference (transcript-rebuilt; emitter-appended) ---
"""Pipeline reference for scband-actor-network-66314295050521 (READ-ONLY COPY).

The authoritative reference and input builder live on the scoring server;
editing this copy changes nothing except your own understanding.
"""

import jax, jax.numpy as jnp
import numpy as np

N_NODES = 10000
D = 128
H1 = 256
H2 = 128
N_EDGES = 320000


def setup_inputs(seed: int = 0) -> dict:
    key = jax.random.key(seed)
    ks = jax.random.split(key, 10)
    x = jax.random.normal(ks[0], (N_NODES, D), dtype=jnp.float32)
    edge_index = jax.random.randint(ks[1], (2, N_EDGES), 0, N_NODES, dtype=jnp.int64)
    s = 1.0 / np.sqrt(D)
    W_gcn = jax.random.uniform(ks[2], (D, D), minval=-s, maxval=s, dtype=jnp.float32)
    b_gcn = jnp.zeros((D,), dtype=jnp.float32)
    W1 = jax.random.uniform(ks[3], (D, H1), minval=-s, maxval=s, dtype=jnp.float32)
    b1 = jnp.zeros((H1,), dtype=jnp.float32)
    s1 = 1.0 / np.sqrt(H1)
    W2 = jax.random.uniform(ks[4], (H1, H2), minval=-s1, maxval=s1, dtype=jnp.float32)
    b2 = jnp.zeros((H2,), dtype=jnp.float32)
    s2 = 1.0 / np.sqrt(H2)
    W3 = jax.random.uniform(ks[5], (H2, 1), minval=-s2, maxval=s2, dtype=jnp.float32)
    b3 = jnp.zeros((1,), dtype=jnp.float32)
    return {"x": x, "edge_index": edge_index, "W_gcn": W_gcn, "b_gcn": b_gcn,
            "W1": W1, "b1": b1, "W2": W2, "b2": b2, "W3": W3, "b3": b3}


def _gcn_conv(x, edge_index, W, b):
    # GCNConv: symmetric normalization with self-loops: D^-1/2 (A+I) D^-1/2 X W + b
    n = x.shape[0]
    xw = x @ W
    self_idx = jnp.arange(n, dtype=edge_index.dtype)
    src = jnp.concatenate([edge_index[0], self_idx])
    dst = jnp.concatenate([edge_index[1], self_idx])
    ones = jnp.ones_like(dst, dtype=xw.dtype)
    deg = jax.ops.segment_sum(ones, dst, num_segments=n)
    deg_inv_sqrt = jnp.where(deg > 0, jax.lax.rsqrt(deg), 0.0)
    norm = deg_inv_sqrt[src] * deg_inv_sqrt[dst]
    msg = xw[src] * norm[:, None]
    out = jax.ops.segment_sum(msg, dst, num_segments=n)
    return out + b


def reference(x, edge_index, W_gcn, b_gcn, W1, b1, W2, b2, W3, b3):
    out = jax.nn.relu(_gcn_conv(x, edge_index, W_gcn, b_gcn))
    h = out + x
    h = jax.nn.relu(h @ W1 + b1)
    h = jax.nn.relu(h @ W2 + b2)
    h = h @ W3 + b3
    return h

if __name__ == "__main__":
    import jax
    _d = setup_inputs()
    print(jax.jit(kernel)(*tuple(_d.values())))

</pallas_src>

<mosaic_0001>
#map = affine_map<(d0, d1) -> (0, 0)>
module attributes {stable_mosaic.version = 14 : i64} {
  func.func @k(%arg0: i32, %arg1: i32, %arg2: memref<2560x128xi32, #tpu.memory_space<hbm>>, %arg3: memref<128x128xf32, #tpu.memory_space<hbm>>, %arg4: memref<640x128xf32, #tpu.memory_space<hbm>>, %arg5: memref<20480x128xf32, #tpu.memory_space<hbm>>, %arg6: memref<80x128xi32, #tpu.memory_space<vmem>>, %arg7: memref<128x128xf32, #tpu.memory_space<vmem>>, %arg8: memref<10240x128xf32, #tpu.memory_space<vmem_shared>>) attributes {dimension_semantics = [#tpu.dimension_semantics<core_parallel>, #tpu.dimension_semantics<subcore_parallel>], iteration_bounds = array<i64: 2, 16>, scalar_prefetch = 0 : i64, scratch_operands = 3 : i64, tpu.core_type = #tpu.core_type<sc_vector_subcore>, window_params = [{transform_indices = #map}, {transform_indices = #map}, {transform_indices = #map}, {transform_indices = #map}]} {
    %mul3A = arith.constant 2 : i32
    %mul3A_0 = arith.muli %arg1, %mul3A : i32
    %add3A = arith.addi %mul3A_0, %arg0 : i32
    %mul3A_1 = arith.constant 640 : i32
    %mul3A_2 = arith.muli %arg1, %mul3A_1 : i32
    "tpu.region"() ({
      %run_scoped3A = tpu.sem_alloc : memref<!tpu.dma_semaphore, #tpu.memory_space<semaphore_mem>>
      %dma_start3A = arith.constant 0 : i32
      %dma_start3A_17 = tpu.memref_slice %arg8[%mul3A_2, %dma_start3A] : memref<10240x128xf32, #tpu.memory_space<vmem_shared>> -> memref<640x128xf32, #tpu.memory_space<vmem_shared>>
      tpu.enqueue_dma source(%arg4 : memref<640x128xf32, #tpu.memory_space<hbm>>) target(%dma_start3A_17 : memref<640x128xf32, #tpu.memory_space<vmem_shared>>) target_semaphore(%run_scoped3A : memref<!tpu.dma_semaphore, #tpu.memory_space<semaphore_mem>>)
      %dma_wait3A = arith.constant 0 : i32
      %dma_wait3A_18 = tpu.memref_slice %arg8[%mul3A_2, %dma_wait3A] : memref<10240x128xf32, #tpu.memory_space<vmem_shared>> -> memref<640x128xf32, #tpu.memory_space<vmem_shared>>
      tpu.wait_dma2 semaphore(%run_scoped3A : memref<!tpu.dma_semaphore, #tpu.memory_space<semaphore_mem>>) src(%arg4 : memref<640x128xf32, #tpu.memory_space<hbm>>) dst(%dma_wait3A_18 : memref<640x128xf32, #tpu.memory_space<vmem_shared>>)
      tpu.yield
    }) : () -> ()
    "tpu.region"() ({
      %run_scoped3A = tpu.sem_alloc : memref<!tpu.dma_semaphore, #tpu.memory_space<semaphore_mem>>
      tpu.enqueue_dma source(%arg3 : memref<128x128xf32, #tpu.memory_space<hbm>>) target(%arg7 : memref<128x128xf32, #tpu.memory_space<vmem>>) target_semaphore(%run_scoped3A : memref<!tpu.dma_semaphore, #tpu.memory_space<semaphore_mem>>)
      tpu.wait_dma2 semaphore(%run_scoped3A : memref<!tpu.dma_semaphore, #tpu.memory_space<semaphore_mem>>) src(%arg3 : memref<128x128xf32, #tpu.memory_space<hbm>>) dst(%arg7 : memref<128x128xf32, #tpu.memory_space<vmem>>)
      tpu.yield
    }) : () -> ()
    %mul3A_3 = arith.constant 80 : i32
    %mul3A_4 = arith.muli %add3A, %mul3A_3 : i32
    "tpu.region"() ({
      %run_scoped3A = tpu.sem_alloc : memref<!tpu.dma_semaphore, #tpu.memory_space<semaphore_mem>>
      %dma_start3A = arith.constant 0 : i32
      %dma_start3A_17 = tpu.memref_slice %arg2[%mul3A_4, %dma_start3A] : memref<2560x128xi32, #tpu.memory_space<hbm>> -> memref<80x128xi32, #tpu.memory_space<hbm>>
      %dma_start3A_18 = arith.constant 0 : i32
      %dma_start3A_19 = tpu.memref_slice %arg2[%mul3A_4, %dma_start3A_18] : memref<2560x128xi32, #tpu.memory_space<hbm>> -> memref<80x128xi32, #tpu.memory_space<hbm>>
      tpu.enqueue_dma source(%dma_start3A_19 : memref<80x128xi32, #tpu.memory_space<hbm>>) target(%arg6 : memref<80x128xi32, #tpu.memory_space<vmem>>) target_semaphore(%run_scoped3A : memref<!tpu.dma_semaphore, #tpu.memory_space<semaphore_mem>>)
      %dma_wait3A = arith.constant 0 : i32
      %dma_wait3A_20 = tpu.memref_slice %arg2[%mul3A_4, %dma_wait3A] : memref<2560x128xi32, #tpu.memory_space<hbm>> -> memref<80x128xi32, #tpu.memory_space<hbm>>
      %dma_wait3A_21 = arith.constant 0 : i32
      %dma_wait3A_22 = tpu.memref_slice %arg2[%mul3A_4, %dma_wait3A_21] : memref<2560x128xi32, #tpu.memory_space<hbm>> -> memref<80x128xi32, #tpu.memory_space<hbm>>
      tpu.wait_dma2 semaphore(%run_scoped3A : memref<!tpu.dma_semaphore, #tpu.memory_space<semaphore_mem>>) src(%dma_wait3A_22 : memref<80x128xi32, #tpu.memory_space<hbm>>) dst(%arg6 : memref<80x128xi32, #tpu.memory_space<vmem>>)
      tpu.yield
    }) : () -> ()
    %barrier3A = arith.constant 0 : index
    tpu.barrier barrier_id(%barrier3A)
    %scan3A = arith.constant 0 : i32
    %scan3A_5 = arith.constant 80 : i32
    %scan3A_6 = arith.addi %scan3A, %scan3A_5 : i32
    %scan3A_7 = arith.constant 1 : i32
    scf.for %scan3A_17 = %scan3A to %scan3A_6 step %scan3A_7  : i32 {
      %mul3A_18 = arith.constant 1 : i32
      %mul3A_19 = arith.muli %scan3A_17, %mul3A_18 : i32
      %add3A_20 = arith.constant 0 : i32
      %add3A_21 = arith.addi %add3A_20, %mul3A_19 : i32
      "tpu.region"() ({
        %run_scoped3A = tpu.sem_alloc : memref<!tpu.dma_semaphore, #tpu.memory_space<semaphore_mem>>
        %dma_start3A = arith.constant 0 : i32
        %dma_start3A_22 = tpu.memref_slice %arg6[%add3A_21, %dma_start3A] : memref<80x128xi32, #tpu.memory_space<vmem>> -> memref<1x128xi32, #tpu.memory_space<vmem>>
        %dma_start3A_23 = tpu.memref_squeeze %dma_start3A_22 : memref<1x128xi32, #tpu.memory_space<vmem>> -> memref<128xi32, #tpu.memory_space<vmem>>
        %dma_start3A_24 = arith.constant 0 : i32
        %dma_start3A_25 = arith.constant 0 : i32
        %dma_start3A_26 = tpu.memref_slice %arg8[%dma_start3A_24, %dma_start3A_25] : memref<10240x128xf32, #tpu.memory_space<vmem_shared>> -> memref<10240x128xf32, #tpu.memory_space<vmem_shared>>
        tpu.enqueue_indirect_dma source(%arg7 : memref<128x128xf32, #tpu.memory_space<vmem>>) target(%dma_start3A_26 : memref<10240x128xf32, #tpu.memory_space<vmem_shared>>) offsets(%dma_start3A_23 : memref<128xi32, #tpu.memory_space<vmem>>) semaphore(%run_scoped3A : memref<!tpu.dma_semaphore, #tpu.memory_space<semaphore_mem>>) {add = true}
        %dma_wait3A = arith.constant 0 : i32
        %dma_wait3A_27 = tpu.memref_slice %arg6[%add3A_21, %dma_wait3A] : memref<80x128xi32, #tpu.memory_space<vmem>> -> memref<1x128xi32, #tpu.memory_space<vmem>>
        %dma_wait3A_28 = tpu.memref_squeeze %dma_wait3A_27 : memref<1x128xi32, #tpu.memory_space<vmem>> -> memref<128xi32, #tpu.memory_space<vmem>>
        %dma_wait3A_29 = arith.constant 0 : i32
        %dma_wait3A_30 = arith.constant 0 : i32
        %dma_wait3A_31 = tpu.memref_slice %arg8[%dma_wait3A_29, %dma_wait3A_30] : memref<10240x128xf32, #tpu.memory_space<vmem_shared>> -> memref<10240x128xf32, #tpu.memory_space<vmem_shared>>
        tpu.wait_indirect_dma semaphore(%run_scoped3A : memref<!tpu.dma_semaphore, #tpu.memory_space<semaphore_mem>>) src(%arg7 : memref<128x128xf32, #tpu.memory_space<vmem>>) dst(%dma_wait3A_31 : memref<10240x128xf32, #tpu.memory_space<vmem_shared>>)
        tpu.yield
      }) : () -> ()
    }
    %scan3A_8 = arith.constant 80 : i32
    %barrier3A_9 = arith.constant 0 : index
    tpu.barrier barrier_id(%barrier3A_9)
    %mul3A_10 = arith.constant 640 : i32
    %mul3A_11 = arith.muli %arg1, %mul3A_10 : i32
    %mul3A_12 = arith.constant 10240 : i32
    %mul3A_13 = arith.muli %arg0, %mul3A_12 : i32
    %mul3A_14 = arith.constant 640 : i32
    %mul3A_15 = arith.muli %arg1, %mul3A_14 : i32
    %add3A_16 = arith.addi %mul3A_13, %mul3A_15 : i32
    "tpu.region"() ({
      %run_scoped3A = tpu.sem_alloc : memref<!tpu.dma_semaphore, #tpu.memory_space<semaphore_mem>>
      %dma_start3A = arith.constant 0 : i32
      %dma_start3A_17 = tpu.memref_slice %arg5[%add3A_16, %dma_start3A] : memref<20480x128xf32, #tpu.memory_space<hbm>> -> memref<640x128xf32, #tpu.memory_space<hbm>>
      %dma_start3A_18 = arith.constant 0 : i32
      %dma_start3A_19 = tpu.memref_slice %arg8[%mul3A_11, %dma_start3A_18] : memref<10240x128xf32, #tpu.memory_space<vmem_shared>> -> memref<640x128xf32, #tpu.memory_space<vmem_shared>>
      tpu.enqueue_dma source(%dma_start3A_19 : memref<640x128xf32, #tpu.memory_space<vmem_shared>>) target(%dma_start3A_17 : memref<640x128xf32, #tpu.memory_space<hbm>>) target_semaphore(%run_scoped3A : memref<!tpu.dma_semaphore, #tpu.memory_space<semaphore_mem>>)
      %dma_wait3A = arith.constant 0 : i32
      %dma_wait3A_20 = tpu.memref_slice %arg5[%add3A_16, %dma_wait3A] : memref<20480x128xf32, #tpu.memory_space<hbm>> -> memref<640x128xf32, #tpu.memory_space<hbm>>
      %dma_wait3A_21 = arith.constant 0 : i32
      %dma_wait3A_22 = tpu.memref_slice %arg8[%mul3A_11, %dma_wait3A_21] : memref<10240x128xf32, #tpu.memory_space<vmem_shared>> -> memref<640x128xf32, #tpu.memory_space<vmem_shared>>
      tpu.wait_dma2 semaphore(%run_scoped3A : memref<!tpu.dma_semaphore, #tpu.memory_space<semaphore_mem>>) src(%dma_wait3A_22 : memref<640x128xf32, #tpu.memory_space<vmem_shared>>) dst(%dma_wait3A_20 : memref<640x128xf32, #tpu.memory_space<hbm>>)
      tpu.yield
    }) : () -> ()
    return
  }
}

#map = affine_map<(d0, d1) -> (0, 0)>
module attributes {stable_mosaic.version = 14 : i64} {
  func.func @k(%arg0: i32, %arg1: i32, %arg2: memref<10240x128xf32, #tpu.memory_space<hbm>>, %arg3: memref<2560x128xi32, #tpu.memory_space<hbm>>, %arg4: memref<2560x128xi32, #tpu.memory_space<hbm>>, %arg5: memref<640x128xf32, #tpu.memory_space<hbm>>, %arg6: memref<20480x128xf32, #tpu.memory_space<hbm>>, %arg7: memref<80x128xi32, #tpu.memory_space<vmem>>, %arg8: memref<80x128xi32, #tpu.memory_space<vmem>>, %arg9: memref<128x128xf32, #tpu.memory_space<vmem>>, %arg10: memref<10240x128xf32, #tpu.memory_space<vmem_shared>>) attributes {dimension_semantics = [#tpu.dimension_semantics<core_parallel>, #tpu.dimension_semantics<subcore_parallel>], iteration_bounds = array<i64: 2, 16>, scalar_prefetch = 0 : i64, scratch_operands = 4 : i64, tpu.core_type = #tpu.core_type<sc_vector_subcore>, window_params = [{transform_indices = #map}, {transform_indices = #map}, {transform_indices = #map}, {transform_indices = #map}, {transform_indices = #map}]} {
    %mul3A = arith.constant 2 : i32
    %mul3A_0 = arith.muli %arg1, %mul3A : i32
    %add3A = arith.addi %mul3A_0, %arg0 : i32
    %mul3A_1 = arith.constant 640 : i32
    %mul3A_2 = arith.muli %arg1, %mul3A_1 : i32
    "tpu.region"() ({
      %run_scoped3A = tpu.sem_alloc : memref<!tpu.dma_semaphore, #tpu.memory_space<semaphore_mem>>
      %dma_start3A = arith.constant 0 : i32
      %dma_start3A_19 = tpu.memref_slice %arg10[%mul3A_2, %dma_start3A] : memref<10240x128xf32, #tpu.memory_space<vmem_shared>> -> memref<640x128xf32, #tpu.memory_space<vmem_shared>>
      tpu.enqueue_dma source(%arg5 : memref<640x128xf32, #tpu.memory_space<hbm>>) target(%dma_start3A_19 : memref<640x128xf32, #tpu.memory_space<vmem_shared>>) target_semaphore(%run_scoped3A : memref<!tpu.dma_semaphore, #tpu.memory_space<semaphore_mem>>)
      %dma_wait3A = arith.constant 0 : i32
      %dma_wait3A_20 = tpu.memref_slice %arg10[%mul3A_2, %dma_wait3A] : memref<10240x128xf32, #tpu.memory_space<vmem_shared>> -> memref<640x128xf32, #tpu.memory_space<vmem_shared>>
      tpu.wait_dma2 semaphore(%run_scoped3A : memref<!tpu.dma_semaphore, #tpu.memory_space<semaphore_mem>>) src(%arg5 : memref<640x128xf32, #tpu.memory_space<hbm>>) dst(%dma_wait3A_20 : memref<640x128xf32, #tpu.memory_space<vmem_shared>>)
      tpu.yield
    }) : () -> ()
    %mul3A_3 = arith.constant 80 : i32
    %mul3A_4 = arith.muli %add3A, %mul3A_3 : i32
    "tpu.region"() ({
      %run_scoped3A = tpu.sem_alloc : memref<!tpu.dma_semaphore, #tpu.memory_space<semaphore_mem>>
      %dma_start3A = arith.constant 0 : i32
      %dma_start3A_19 = tpu.memref_slice %arg3[%mul3A_4, %dma_start3A] : memref<2560x128xi32, #tpu.memory_space<hbm>> -> memref<80x128xi32, #tpu.memory_space<hbm>>
      %dma_start3A_20 = arith.constant 0 : i32
      %dma_start3A_21 = tpu.memref_slice %arg3[%mul3A_4, %dma_start3A_20] : memref<2560x128xi32, #tpu.memory_space<hbm>> -> memref<80x128xi32, #tpu.memory_space<hbm>>
      tpu.enqueue_dma source(%dma_start3A_21 : memref<80x128xi32, #tpu.memory_space<hbm>>) target(%arg7 : memref<80x128xi32, #tpu.memory_space<vmem>>) target_semaphore(%run_scoped3A : memref<!tpu.dma_semaphore, #tpu.memory_space<semaphore_mem>>)
      %dma_wait3A = arith.constant 0 : i32
      %dma_wait3A_22 = tpu.memref_slice %arg3[%mul3A_4, %dma_wait3A] : memref<2560x128xi32, #tpu.memory_space<hbm>> -> memref<80x128xi32, #tpu.memory_space<hbm>>
      %dma_wait3A_23 = arith.constant 0 : i32
      %dma_wait3A_24 = tpu.memref_slice %arg3[%mul3A_4, %dma_wait3A_23] : memref<2560x128xi32, #tpu.memory_space<hbm>> -> memref<80x128xi32, #tpu.memory_space<hbm>>
      tpu.wait_dma2 semaphore(%run_scoped3A : memref<!tpu.dma_semaphore, #tpu.memory_space<semaphore_mem>>) src(%dma_wait3A_24 : memref<80x128xi32, #tpu.memory_space<hbm>>) dst(%arg7 : memref<80x128xi32, #tpu.memory_space<vmem>>)
      tpu.yield
    }) : () -> ()
    %mul3A_5 = arith.constant 80 : i32
    %mul3A_6 = arith.muli %add3A, %mul3A_5 : i32
    "tpu.region"() ({
      %run_scoped3A = tpu.sem_alloc : memref<!tpu.dma_semaphore, #tpu.memory_space<semaphore_mem>>
      %dma_start3A = arith.constant 0 : i32
      %dma_start3A_19 = tpu.memref_slice %arg4[%mul3A_6, %dma_start3A] : memref<2560x128xi32, #tpu.memory_space<hbm>> -> memref<80x128xi32, #tpu.memory_space<hbm>>
      %dma_start3A_20 = arith.constant 0 : i32
      %dma_start3A_21 = tpu.memref_slice %arg4[%mul3A_6, %dma_start3A_20] : memref<2560x128xi32, #tpu.memory_space<hbm>> -> memref<80x128xi32, #tpu.memory_space<hbm>>
      tpu.enqueue_dma source(%dma_start3A_21 : memref<80x128xi32, #tpu.memory_space<hbm>>) target(%arg8 : memref<80x128xi32, #tpu.memory_space<vmem>>) target_semaphore(%run_scoped3A : memref<!tpu.dma_semaphore, #tpu.memory_space<semaphore_mem>>)
      %dma_wait3A = arith.constant 0 : i32
      %dma_wait3A_22 = tpu.memref_slice %arg4[%mul3A_6, %dma_wait3A] : memref<2560x128xi32, #tpu.memory_space<hbm>> -> memref<80x128xi32, #tpu.memory_space<hbm>>
      %dma_wait3A_23 = arith.constant 0 : i32
      %dma_wait3A_24 = tpu.memref_slice %arg4[%mul3A_6, %dma_wait3A_23] : memref<2560x128xi32, #tpu.memory_space<hbm>> -> memref<80x128xi32, #tpu.memory_space<hbm>>
      tpu.wait_dma2 semaphore(%run_scoped3A : memref<!tpu.dma_semaphore, #tpu.memory_space<semaphore_mem>>) src(%dma_wait3A_24 : memref<80x128xi32, #tpu.memory_space<hbm>>) dst(%arg8 : memref<80x128xi32, #tpu.memory_space<vmem>>)
      tpu.yield
    }) : () -> ()
    %barrier3A = arith.constant 0 : index
    tpu.barrier barrier_id(%barrier3A)
    %scan3A = arith.constant 0 : i32
    %scan3A_7 = arith.constant 80 : i32
    %scan3A_8 = arith.addi %scan3A, %scan3A_7 : i32
    %scan3A_9 = arith.constant 1 : i32
    scf.for %scan3A_19 = %scan3A to %scan3A_8 step %scan3A_9  : i32 {
      %mul3A_20 = arith.constant 1 : i32
      %mul3A_21 = arith.muli %scan3A_19, %mul3A_20 : i32
      %add3A_22 = arith.constant 0 : i32
      %add3A_23 = arith.addi %add3A_22, %mul3A_21 : i32
      "tpu.region"() ({
        %run_scoped3A = tpu.sem_alloc : memref<!tpu.dma_semaphore, #tpu.memory_space<semaphore_mem>>
        %dma_start3A = arith.constant 0 : i32
        %dma_start3A_24 = tpu.memref_slice %arg7[%add3A_23, %dma_start3A] : memref<80x128xi32, #tpu.memory_space<vmem>> -> memref<1x128xi32, #tpu.memory_space<vmem>>
        %dma_start3A_25 = tpu.memref_squeeze %dma_start3A_24 : memref<1x128xi32, #tpu.memory_space<vmem>> -> memref<128xi32, #tpu.memory_space<vmem>>
        %dma_start3A_26 = arith.constant 0 : i32
        %dma_start3A_27 = arith.constant 0 : i32
        %dma_start3A_28 = tpu.memref_slice %arg2[%dma_start3A_26, %dma_start3A_27] : memref<10240x128xf32, #tpu.memory_space<hbm>> -> memref<10240x128xf32, #tpu.memory_space<hbm>>
        tpu.enqueue_indirect_dma source(%dma_start3A_28 : memref<10240x128xf32, #tpu.memory_space<hbm>>) target(%arg9 : memref<128x128xf32, #tpu.memory_space<vmem>>) offsets(%dma_start3A_25 : memref<128xi32, #tpu.memory_space<vmem>>) semaphore(%run_scoped3A : memref<!tpu.dma_semaphore, #tpu.memory_space<semaphore_mem>>)
        %dma_wait3A = arith.constant 0 : i32
        %dma_wait3A_29 = tpu.memref_slice %arg7[%add3A_23, %dma_wait3A] : memref<80x128xi32, #tpu.memory_space<vmem>> -> memref<1x128xi32, #tpu.memory_space<vmem>>
        %dma_wait3A_30 = tpu.memref_squeeze %dma_wait3A_29 : memref<1x128xi32, #tpu.memory_space<vmem>> -> memref<128xi32, #tpu.memory_space<vmem>>
        %dma_wait3A_31 = arith.constant 0 : i32
        %dma_wait3A_32 = arith.constant 0 : i32
        %dma_wait3A_33 = tpu.memref_slice %arg2[%dma_wait3A_31, %dma_wait3A_32] : memref<10240x128xf32, #tpu.memory_space<hbm>> -> memref<10240x128xf32, #tpu.memory_space<hbm>>
        tpu.wait_indirect_dma semaphore(%run_scoped3A : memref<!tpu.dma_semaphore, #tpu.memory_space<semaphore_mem>>) src(%dma_wait3A_33 : memref<10240x128xf32, #tpu.memory_space<hbm>>) dst(%arg9 : memref<128x128xf32, #tpu.memory_space<vmem>>)
        tpu.yield
      }) : () -> ()
      "tpu.region"() ({
        %run_scoped3A = tpu.sem_alloc : memref<!tpu.dma_semaphore, #tpu.memory_space<semaphore_mem>>
        %dma_start3A = arith.constant 0 : i32
        %dma_start3A_24 = tpu.memref_slice %arg8[%add3A_23, %dma_start3A] : memref<80x128xi32, #tpu.memory_space<vmem>> -> memref<1x128xi32, #tpu.memory_space<vmem>>
        %dma_start3A_25 = tpu.memref_squeeze %dma_start3A_24 : memref<1x128xi32, #tpu.memory_space<vmem>> -> memref<128xi32, #tpu.memory_space<vmem>>
        %dma_start3A_26 = arith.constant 0 : i32
        %dma_start3A_27 = arith.constant 0 : i32
        %dma_start3A_28 = tpu.memref_slice %arg10[%dma_start3A_26, %dma_start3A_27] : memref<10240x128xf32, #tpu.memory_space<vmem_shared>> -> memref<10240x128xf32, #tpu.memory_space<vmem_shared>>
        tpu.enqueue_indirect_dma source(%arg9 : memref<128x128xf32, #tpu.memory_space<vmem>>) target(%dma_start3A_28 : memref<10240x128xf32, #tpu.memory_space<vmem_shared>>) offsets(%dma_start3A_25 : memref<128xi32, #tpu.memory_space<vmem>>) semaphore(%run_scoped3A : memref<!tpu.dma_semaphore, #tpu.memory_space<semaphore_mem>>) {add = true}
        %dma_wait3A = arith.constant 0 : i32
        %dma_wait3A_29 = tpu.memref_slice %arg8[%add3A_23, %dma_wait3A] : memref<80x128xi32, #tpu.memory_space<vmem>> -> memref<1x128xi32, #tpu.memory_space<vmem>>
        %dma_wait3A_30 = tpu.memref_squeeze %dma_wait3A_29 : memref<1x128xi32, #tpu.memory_space<vmem>> -> memref<128xi32, #tpu.memory_space<vmem>>
        %dma_wait3A_31 = arith.constant 0 : i32
        %dma_wait3A_32 = arith.constant 0 : i32
        %dma_wait3A_33 = tpu.memref_slice %arg10[%dma_wait3A_31, %dma_wait3A_32] : memref<10240x128xf32, #tpu.memory_space<vmem_shared>> -> memref<10240x128xf32, #tpu.memory_space<vmem_shared>>
        tpu.wait_indirect_dma semaphore(%run_scoped3A : memref<!tpu.dma_semaphore, #tpu.memory_space<semaphore_mem>>) src(%arg9 : memref<128x128xf32, #tpu.memory_space<vmem>>) dst(%dma_wait3A_33 : memref<10240x128xf32, #tpu.memory_space<vmem_shared>>)
        tpu.yield
      }) : () -> ()
    }
    %scan3A_10 = arith.constant 80 : i32
    %barrier3A_11 = arith.constant 0 : index
    tpu.barrier barrier_id(%barrier3A_11)
    %mul3A_12 = arith.constant 640 : i32
    %mul3A_13 = arith.muli %arg1, %mul3A_12 : i32
    %mul3A_14 = arith.constant 10240 : i32
    %mul3A_15 = arith.muli %arg0, %mul3A_14 : i32
    %mul3A_16 = arith.constant 640 : i32
    %mul3A_17 = arith.muli %arg1, %mul3A_16 : i32
    %add3A_18 = arith.addi %mul3A_15, %mul3A_17 : i32
    "tpu.region"() ({
      %run_scoped3A = tpu.sem_alloc : memref<!tpu.dma_semaphore, #tpu.memory_space<semaphore_mem>>
      %dma_start3A = arith.constant 0 : i32
      %dma_start3A_19 = tpu.memref_slice %arg6[%add3A_18, %dma_start3A] : memref<20480x128xf32, #tpu.memory_space<hbm>> -> memref<640x128xf32, #tpu.memory_space<hbm>>
      %dma_start3A_20 = arith.constant 0 : i32
      %dma_start3A_21 = tpu.memref_slice %arg10[%mul3A_13, %dma_start3A_20] : memref<10240x128xf32, #tpu.memory_space<vmem_shared>> -> memref<640x128xf32, #tpu.memory_space<vmem_shared>>
      tpu.enqueue_dma source(%dma_start3A_21 : memref<640x128xf32, #tpu.memory_space<vmem_shared>>) target(%dma_start3A_19 : memref<640x128xf32, #tpu.memory_space<hbm>>) target_semaphore(%run_scoped3A : memref<!tpu.dma_semaphore, #tpu.memory_space<semaphore_mem>>)
      %dma_wait3A = arith.constant 0 : i32
      %dma_wait3A_22 = tpu.memref_slice %arg6[%add3A_18, %dma_wait3A] : memref<20480x128xf32, #tpu.memory_space<hbm>> -> memref<640x128xf32, #tpu.memory_space<hbm>>
      %dma_wait3A_23 = arith.constant 0 : i32
      %dma_wait3A_24 = tpu.memref_slice %arg10[%mul3A_13, %dma_wait3A_23] : memref<10240x128xf32, #tpu.memory_space<vmem_shared>> -> memref<640x128xf32, #tpu.memory_space<vmem_shared>>
      tpu.wait_dma2 semaphore(%run_scoped3A : memref<!tpu.dma_semaphore, #tpu.memory_space<semaphore_mem>>) src(%dma_wait3A_24 : memref<640x128xf32, #tpu.memory_space<vmem_shared>>) dst(%dma_wait3A_22 : memref<640x128xf32, #tpu.memory_space<hbm>>)
      tpu.yield
    }) : () -> ()
    return
  }
}

module attributes {stable_mosaic.version = 14 : i64} {
  func.func @body(%arg0: i32, %arg1: memref<512x128xf32, #tpu.memory_space<vmem>>, %arg2: memref<128x128xf32, #tpu.memory_space<vmem>>, %arg3: memref<512x128xf32, #tpu.memory_space<vmem>>) attributes {dimension_semantics = [#tpu.dimension_semantics<arbitrary>], iteration_bounds = array<i64: 20>, scalar_prefetch = 0 : i64, scratch_operands = 0 : i64, tpu.core_type = #tpu.core_type<tc>, window_params = [{transform_indices = @transform_0, window_bounds = array<i64: 512, 128>}, {pipeline_mode = #tpu.pipeline_mode<synchronous>, transform_indices = @transform_1, window_bounds = array<i64: 128, 128>}, {transform_indices = @transform_2, window_bounds = array<i64: 512, 128>}]} {
    %get3A = arith.constant 0 : index
    %get3A_0 = arith.constant 0 : index
    %get3A_1 = vector.load %arg1[%get3A, %get3A_0] : memref<512x128xf32, #tpu.memory_space<vmem>>, vector<512x128xf32>
    %get3A_2 = arith.constant 0 : index
    %get3A_3 = arith.constant 0 : index
    %get3A_4 = vector.load %arg2[%get3A_2, %get3A_3] : memref<128x128xf32, #tpu.memory_space<vmem>>, vector<128x128xf32>
    %dot_general3A = arith.constant dense<0.000000e+00> : vector<512x128xf32>
    %dot_general3A_5 = tpu.matmul %get3A_1, %get3A_4, %dot_general3A {dimension_numbers = #tpu.dot_dimension_numbers<[1], [0], [0], [1], [0, 0, 1, 1], [], []>, transpose_lhs_hint = false} : vector<512x128xf32>, vector<128x128xf32>, vector<512x128xf32> -> vector<512x128xf32>
    %swap3A = arith.constant 0 : index
    %swap3A_6 = arith.constant 0 : index
    %swap3A_7 = vector.load %arg3[%swap3A, %swap3A_6] : memref<512x128xf32, #tpu.memory_space<vmem>>, vector<512x128xf32>
    tpu.vector_store %arg3[%swap3A, %swap3A_6], %dot_general3A_5 {strides = array<i32>} : memref<512x128xf32, #tpu.memory_space<vmem>>, vector<512x128xf32>,
    return
  }
  func.func @transform_0(%arg0: i32) -> (i32, i32) {
    %c0_i32 = arith.constant 0 : i32
    %c0_i32_0 = arith.constant 0 : i32
    return %arg0, %c0_i32 : i32, i32
  }
  func.func @transform_1(%arg0: i32) -> (i32, i32) {
    %c0_i32 = arith.constant 0 : i32
    %c0_i32_0 = arith.constant 0 : i32
    %c0_i32_1 = arith.constant 0 : i32
    return %c0_i32, %c0_i32_0 : i32, i32
  }
  func.func @transform_2(%arg0: i32) -> (i32, i32) {
    %c0_i32 = arith.constant 0 : i32
    %c0_i32_0 = arith.constant 0 : i32
    return %arg0, %c0_i32 : i32, i32
  }
}

module attributes {stable_mosaic.version = 14 : i64} {
  func.func @body(%arg0: i32, %arg1: memref<512x128xf32, #tpu.memory_space<vmem>>, %arg2: memref<512x128xf32, #tpu.memory_space<vmem>>, %arg3: memref<512x128xf32, #tpu.memory_space<vmem>>, %arg4: memref<512x128xf32, #tpu.memory_space<vmem>>) attributes {dimension_semantics = [#tpu.dimension_semantics<arbitrary>], iteration_bounds = array<i64: 20>, scalar_prefetch = 0 : i64, scratch_operands = 0 : i64, tpu.core_type = #tpu.core_type<tc>, window_params = [{transform_indices = @transform_0, window_bounds = array<i64: 512, 128>}, {transform_indices = @transform_1, window_bounds = array<i64: 512, 128>}, {transform_indices = @transform_2, window_bounds = array<i64: 512, 128>}, {transform_indices = @transform_3, window_bounds = array<i64: 512, 128>}]} {
    %get3A = arith.constant 0 : index
    %get3A_0 = arith.constant 0 : index
    %get3A_1 = vector.load %arg1[%get3A, %get3A_0] : memref<512x128xf32, #tpu.memory_space<vmem>>, vector<512x128xf32>
    %slice3A = vector.extract_strided_slice %get3A_1 {offsets = [0, 0], sizes = [512, 1], strides = [1, 1]} : vector<512x128xf32> to vector<512x1xf32>
    %get3A_2 = arith.constant 0 : index
    %get3A_3 = arith.constant 0 : index
    %get3A_4 = vector.load %arg2[%get3A_2, %get3A_3] : memref<512x128xf32, #tpu.memory_space<vmem>>, vector<512x128xf32>
    %slice3A_5 = vector.extract_strided_slice %get3A_4 {offsets = [0, 0], sizes = [512, 1], strides = [1, 1]} : vector<512x128xf32> to vector<512x1xf32>
    %add3A = arith.addf %slice3A, %slice3A_5 : vector<512x1xf32>
    %add3A_6 = arith.constant 1.000000e+00 : f32
    %add3A_7 = vector.broadcast %add3A_6 : f32 to vector<512x1xf32>
    %add3A_8 = arith.addf %add3A, %add3A_7 : vector<512x1xf32>
    %get3A_9 = arith.constant 0 : index
    %get3A_10 = arith.constant 0 : index
    %get3A_11 = vector.load %arg3[%get3A_9, %get3A_10] : memref<512x128xf32, #tpu.memory_space<vmem>>, vector<512x128xf32>
    %rsqrt3A = math.rsqrt %add3A_8 : vector<512x1xf32>
    %mul3A = vector.broadcast %rsqrt3A : vector<512x1xf32> to vector<512x128xf32>
    %mul3A_12 = arith.mulf %get3A_11, %mul3A : vector<512x128xf32>
    %swap3A = arith.constant 0 : index
    %swap3A_13 = arith.constant 0 : index
    %swap3A_14 = vector.load %arg4[%swap3A, %swap3A_13] : memref<512x128xf32, #tpu.memory_space<vmem>>, vector<512x128xf32>
    tpu.vector_store %arg4[%swap3A, %swap3A_13], %mul3A_12 {strides = array<i32>} : memref<512x128xf32, #tpu.memory_space<vmem>>, vector<512x128xf32>,
    return
  }
  func.func @transform_0(%arg0: i32) -> (i32, i32) {
    %c0_i32 = arith.constant 0 : i32
    %c0_i32_0 = arith.constant 0 : i32
    return %arg0, %c0_i32 : i32, i32
  }
  func.func @transform_1(%arg0: i32) -> (i32, i32) {
    %c0_i32 = arith.constant 0 : i32
    %c0_i32_0 = arith.constant 0 : i32
    return %arg0, %c0_i32 : i32, i32
  }
  func.func @transform_2(%arg0: i32) -> (i32, i32) {
    %c0_i32 = arith.constant 0 : i32
    %c0_i32_0 = arith.constant 0 : i32
    return %arg0, %c0_i32 : i32, i32
  }
  func.func @transform_3(%arg0: i32) -> (i32, i32) {
    %c0_i32 = arith.constant 0 : i32
    %c0_i32_0 = arith.constant 0 : i32
    return %arg0, %c0_i32 : i32, i32
  }
}

module attributes {stable_mosaic.version = 14 : i64} {
  func.func @body(%arg0: i32, %arg1: memref<1024x128xf32, #tpu.memory_space<vmem>>, %arg2: memref<1024x128xf32, #tpu.memory_space<vmem>>, %arg3: memref<1024x128xf32, #tpu.memory_space<vmem>>, %arg4: memref<1024x128xf32, #tpu.memory_space<vmem>>, %arg5: memref<1024x128xf32, #tpu.memory_space<vmem>>, %arg6: memref<1024x128xf32, #tpu.memory_space<vmem>>, %arg7: memref<1x128xf32, #tpu.memory_space<vmem>>, %arg8: memref<128x256xf32, #tpu.memory_space<vmem>>, %arg9: memref<1x256xf32, #tpu.memory_space<vmem>>, %arg10: memref<256x128xf32, #tpu.memory_space<vmem>>, %arg11: memref<1x128xf32, #tpu.memory_space<vmem>>, %arg12: memref<128x128xf32, #tpu.memory_space<vmem>>, %arg13: memref<1x128xf32, #tpu.memory_space<vmem>>, %arg14: memref<1024x128xf32, #tpu.memory_space<vmem>>) attributes {dimension_semantics = [#tpu.dimension_semantics<arbitrary>], iteration_bounds = array<i64: 10>, scalar_prefetch = 0 : i64, scratch_operands = 0 : i64, tpu.core_type = #tpu.core_type<tc>, window_params = [{transform_indices = @transform_0, window_bounds = array<i64: 1024, 128>}, {transform_indices = @transform_1, window_bounds = array<i64: 1024, 128>}, {transform_indices = @transform_2, window_bounds = array<i64: 1024, 128>}, {transform_indices = @transform_3, window_bounds = array<i64: 1024, 128>}, {transform_indices = @transform_4, window_bounds = array<i64: 1024, 128>}, {transform_indices = @transform_5, window_bounds = array<i64: 1024, 128>}, {pipeline_mode = #tpu.pipeline_mode<synchronous>, transform_indices = @transform_6, window_bounds = array<i64: 1, 128>}, {pipeline_mode = #tpu.pipeline_mode<synchronous>, transform_indices = @transform_7, window_bounds = array<i64: 128, 256>}, {pipeline_mode = #tpu.pipeline_mode<synchronous>, transform_indices = @transform_8, window_bounds = array<i64: 1, 256>}, {pipeline_mode = #tpu.pipeline_mode<synchronous>, transform_indices = @transform_9, window_bounds = array<i64: 256, 128>}, {pipeline_mode = #tpu.pipeline_mode<synchronous>, transform_indices = @transform_10, window_bounds = array<i64: 1, 128>}, {pipeline_mode = #tpu.pipeline_mode<synchronous>, transform_indices = @transform_11, window_bounds = array<i64: 128, 128>}, {pipeline_mode = #tpu.pipeline_mode<synchronous>, transform_indices = @transform_12, window_bounds = array<i64: 1, 128>}, {transform_indices = @transform_13, window_bounds = array<i64: 1024, 128>}]} {
    %get3A = arith.constant 0 : index
    %get3A_0 = arith.constant 0 : index
    %get3A_1 = vector.load %arg3[%get3A, %get3A_0] : memref<1024x128xf32, #tpu.memory_space<vmem>>, vector<1024x128xf32>
    %slice3A = vector.extract_strided_slice %get3A_1 {offsets = [0, 0], sizes = [1024, 1], strides = [1, 1]} : vector<1024x128xf32> to vector<1024x1xf32>
    %get3A_2 = arith.constant 0 : index
    %get3A_3 = arith.constant 0 : index
    %get3A_4 = vector.load %arg4[%get3A_2, %get3A_3] : memref<1024x128xf32, #tpu.memory_space<vmem>>, vector<1024x128xf32>
    %slice3A_5 = vector.extract_strided_slice %get3A_4 {offsets = [0, 0], sizes = [1024, 1], strides = [1, 1]} : vector<1024x128xf32> to vector<1024x1xf32>
    %add3A = arith.addf %slice3A, %slice3A_5 : vector<1024x1xf32>
    %add3A_6 = arith.constant 1.000000e+00 : f32
    %add3A_7 = vector.broadcast %add3A_6 : f32 to vector<1024x1xf32>
    %add3A_8 = arith.addf %add3A, %add3A_7 : vector<1024x1xf32>
    %rsqrt3A = math.rsqrt %add3A_8 : vector<1024x1xf32>
    %get3A_9 = arith.constant 0 : index
    %get3A_10 = arith.constant 0 : index
    %get3A_11 = vector.load %arg1[%get3A_9, %get3A_10] : memref<1024x128xf32, #tpu.memory_space<vmem>>, vector<1024x128xf32>
    %get3A_12 = arith.constant 0 : index
    %get3A_13 = arith.constant 0 : index
    %get3A_14 = vector.load %arg2[%get3A_12, %get3A_13] : memref<1024x128xf32, #tpu.memory_space<vmem>>, vector<1024x128xf32>
    %add3A_15 = arith.addf %get3A_11, %get3A_14 : vector<1024x128xf32>
    %mul3A = vector.broadcast %rsqrt3A : vector<1024x1xf32> to vector<1024x128xf32>
    %mul3A_16 = arith.mulf %add3A_15, %mul3A : vector<1024x128xf32>
    %get3A_17 = arith.constant 0 : index
    %get3A_18 = arith.constant 0 : index
    %get3A_19 = vector.load %arg5[%get3A_17, %get3A_18] : memref<1024x128xf32, #tpu.memory_space<vmem>>, vector<1024x128xf32>
    %div3A = vector.broadcast %add3A_8 : vector<1024x1xf32> to vector<1024x128xf32>
    %div3A_20 = arith.divf %get3A_19, %div3A : vector<1024x128xf32>
    %add3A_21 = arith.addf %mul3A_16, %div3A_20 : vector<1024x128xf32>
    %get3A_22 = arith.constant 0 : index
    %get3A_23 = arith.constant 0 : index
    %get3A_24 = vector.load %arg7[%get3A_22, %get3A_23] : memref<1x128xf32, #tpu.memory_space<vmem>>, vector<1x128xf32>
    %add3A_25 = vector.broadcast %get3A_24 : vector<1x128xf32> to vector<1024x128xf32>
    %add3A_26 = arith.addf %add3A_21, %add3A_25 : vector<1024x128xf32>
    %max3A = arith.constant 0.000000e+00 : f32
    %max3A_27 = vector.broadcast %max3A : f32 to vector<1024x128xf32>
    %max3A_28 = arith.maximumf %add3A_26, %max3A_27 : vector<1024x128xf32>
    %get3A_29 = arith.constant 0 : index
    %get3A_30 = arith.constant 0 : index
    %get3A_31 = vector.load %arg6[%get3A_29, %get3A_30] : memref<1024x128xf32, #tpu.memory_space<vmem>>, vector<1024x128xf32>
    %add3A_32 = arith.addf %max3A_28, %get3A_31 : vector<1024x128xf32>
    %get3A_33 = arith.constant 0 : index
    %get3A_34 = arith.constant 0 : index
    %get3A_35 = vector.load %arg8[%get3A_33, %get3A_34] : memref<128x256xf32, #tpu.memory_space<vmem>>, vector<128x256xf32>
    %dot_general3A = arith.constant dense<0.000000e+00> : vector<1024x256xf32>
    %dot_general3A_36 = tpu.matmul %add3A_32, %get3A_35, %dot_general3A {dimension_numbers = #tpu.dot_dimension_numbers<[1], [0], [0], [1], [0, 0, 1, 1], [], []>, transpose_lhs_hint = false} : vector<1024x128xf32>, vector<128x256xf32>, vector<1024x256xf32> -> vector<1024x256xf32>
    %get3A_37 = arith.constant 0 : index
    %get3A_38 = arith.constant 0 : index
    %get3A_39 = vector.load %arg9[%get3A_37, %get3A_38] : memref<1x256xf32, #tpu.memory_space<vmem>>, vector<1x256xf32>
    %add3A_40 = vector.broadcast %get3A_39 : vector<1x256xf32> to vector<1024x256xf32>
    %add3A_41 = arith.addf %dot_general3A_36, %add3A_40 : vector<1024x256xf32>
    %max3A_42 = arith.constant 0.000000e+00 : f32
    %max3A_43 = vector.broadcast %max3A_42 : f32 to vector<1024x256xf32>
    %max3A_44 = arith.maximumf %add3A_41, %max3A_43 : vector<1024x256xf32>
    %get3A_45 = arith.constant 0 : index
    %get3A_46 = arith.constant 0 : index
    %get3A_47 = vector.load %arg10[%get3A_45, %get3A_46] : memref<256x128xf32, #tpu.memory_space<vmem>>, vector<256x128xf32>
    %dot_general3A_48 = arith.constant dense<0.000000e+00> : vector<1024x128xf32>
    %dot_general3A_49 = tpu.matmul %max3A_44, %get3A_47, %dot_general3A_48 {dimension_numbers = #tpu.dot_dimension_numbers<[1], [0], [0], [1], [0, 0, 1, 1], [], []>, transpose_lhs_hint = false} : vector<1024x256xf32>, vector<256x128xf32>, vector<1024x128xf32> -> vector<1024x128xf32>
    %get3A_50 = arith.constant 0 : index
    %get3A_51 = arith.constant 0 : index
    %get3A_52 = vector.load %arg11[%get3A_50, %get3A_51] : memref<1x128xf32, #tpu.memory_space<vmem>>, vector<1x128xf32>
    %add3A_53 = vector.broadcast %get3A_52 : vector<1x128xf32> to vector<1024x128xf32>
    %add3A_54 = arith.addf %dot_general3A_49, %add3A_53 : vector<1024x128xf32>
    %max3A_55 = arith.constant 0.000000e+00 : f32
    %max3A_56 = vector.broadcast %max3A_55 : f32 to vector<1024x128xf32>
    %max3A_57 = arith.maximumf %add3A_54, %max3A_56 : vector<1024x128xf32>
    %get3A_58 = arith.constant 0 : index
    %get3A_59 = arith.constant 0 : index
    %get3A_60 = vector.load %arg12[%get3A_58, %get3A_59] : memref<128x128xf32, #tpu.memory_space<vmem>>, vector<128x128xf32>
    %dot_general3A_61 = arith.constant dense<0.000000e+00> : vector<1024x128xf32>
    %dot_general3A_62 = tpu.matmul %max3A_57, %get3A_60, %dot_general3A_61 {dimension_numbers = #tpu.dot_dimension_numbers<[1], [0], [0], [1], [0, 0, 1, 1], [], []>, transpose_lhs_hint = false} : vector<1024x128xf32>, vector<128x128xf32>, vector<1024x128xf32> -> vector<1024x128xf32>
    %get3A_63 = arith.constant 0 : index
    %get3A_64 = arith.constant 0 : index
    %get3A_65 = vector.load %arg13[%get3A_63, %get3A_64] : memref<1x128xf32, #tpu.memory_space<vmem>>, vector<1x128xf32>
    %add3A_66 = vector.broadcast %get3A_65 : vector<1x128xf32> to vector<1024x128xf32>
    %add3A_67 = arith.addf %dot_general3A_62, %add3A_66 : vector<1024x128xf32>
    %swap3A = arith.constant 0 : index
    %swap3A_68 = arith.constant 0 : index
    %swap3A_69 = vector.load %arg14[%swap3A, %swap3A_68] : memref<1024x128xf32, #tpu.memory_space<vmem>>, vector<1024x128xf32>
    tpu.vector_store %arg14[%swap3A, %swap3A_68], %add3A_67 {strides = array<i32>} : memref<1024x128xf32, #tpu.memory_space<vmem>>, vector<1024x128xf32>,
    return
  }
  func.func @transform_0(%arg0: i32) -> (i32, i32) {
    %c0_i32 = arith.constant 0 : i32
    %c0_i32_0 = arith.constant 0 : i32
    return %arg0, %c0_i32 : i32, i32
  }
  func.func @transform_1(%arg0: i32) -> (i32, i32) {
    %c0_i32 = arith.constant 0 : i32
    %c0_i32_0 = arith.constant 0 : i32
    return %arg0, %c0_i32 : i32, i32
  }
  func.func @transform_2(%arg0: i32) -> (i32, i32) {
    %c0_i32 = arith.constant 0 : i32
    %c0_i32_0 = arith.constant 0 : i32
    return %arg0, %c0_i32 : i32, i32
  }
  func.func @transform_3(%arg0: i32) -> (i32, i32) {
    %c0_i32 = arith.constant 0 : i32
    %c0_i32_0 = arith.constant 0 : i32
    return %arg0, %c0_i32 : i32, i32
  }
  func.func @transform_4(%arg0: i32) -> (i32, i32) {
    %c0_i32 = arith.constant 0 : i32
    %c0_i32_0 = arith.constant 0 : i32
    return %arg0, %c0_i32 : i32, i32
  }
  func.func @transform_5(%arg0: i32) -> (i32, i32) {
    %c0_i32 = arith.constant 0 : i32
    %c0_i32_0 = arith.constant 0 : i32
    return %arg0, %c0_i32 : i32, i32
  }
  func.func @transform_6(%arg0: i32) -> (i32, i32) {
    %c0_i32 = arith.constant 0 : i32
    %c0_i32_0 = arith.constant 0 : i32
    %c0_i32_1 = arith.constant 0 : i32
    return %c0_i32, %c0_i32_0 : i32, i32
  }
  func.func @transform_7(%arg0: i32) -> (i32, i32) {
    %c0_i32 = arith.constant 0 : i32
    %c0_i32_0 = arith.constant 0 : i32
    %c0_i32_1 = arith.constant 0 : i32
    return %c0_i32, %c0_i32_0 : i32, i32
  }
  func.func @transform_8(%arg0: i32) -> (i32, i32) {
    %c0_i32 = arith.constant 0 : i32
    %c0_i32_0 = arith.constant 0 : i32
    %c0_i32_1 = arith.constant 0 : i32
    return %c0_i32, %c0_i32_0 : i32, i32
  }
  func.func @transform_9(%arg0: i32) -> (i32, i32) {
    %c0_i32 = arith.constant 0 : i32
    %c0_i32_0 = arith.constant 0 : i32
    %c0_i32_1 = arith.constant 0 : i32
    return %c0_i32, %c0_i32_0 : i32, i32
  }
  func.func @transform_10(%arg0: i32) -> (i32, i32) {
    %c0_i32 = arith.constant 0 : i32
    %c0_i32_0 = arith.constant 0 : i32
    %c0_i32_1 = arith.constant 0 : i32
    return %c0_i32, %c0_i32_0 : i32, i32
  }
  func.func @transform_11(%arg0: i32) -> (i32, i32) {
    %c0_i32 = arith.constant 0 : i32
    %c0_i32_0 = arith.constant 0 : i32
    %c0_i32_1 = arith.constant 0 : i32
    return %c0_i32, %c0_i32_0 : i32, i32
  }
  func.func @transform_12(%arg0: i32) -> (i32, i32) {
    %c0_i32 = arith.constant 0 : i32
    %c0_i32_0 = arith.constant 0 : i32
    %c0_i32_1 = arith.constant 0 : i32
    return %c0_i32, %c0_i32_0 : i32, i32
  }
  func.func @transform_13(%arg0: i32) -> (i32, i32) {
    %c0_i32 = arith.constant 0 : i32
    %c0_i32_0 = arith.constant 0 : i32
    return %arg0, %c0_i32 : i32, i32
  }
}

</mosaic_0001>

<sc_bundles>
// kernel: kernel.10.cloned.1.call-start
scs
__scs_entry_jumppad:
0x0: {  	(pc) =	sbr.rel $0x88, $3  }
0x1: {  	(tag) =	ssettag $0x0;
	lr =	simm.s32 $0x1  }
0x2: {  	[smem:$0x3F97] =	sst lr;
	_ =	strace $0xD0000000  }
0x3: {  	_ = 	snop  }
0x4: {  	_ = 	snop  }
0x5: {  	_ = 	snop  }
0x6: {  	_ = 	snop  }
0x7: {  	_ = 	snop  }
__scs_overlays_trampoline_lowered:
0x8: {  	[smem:$0x3FA6] =	sst s0  }
0x9: {  	[smem:$0x3FA7] =	sst s1  }
0xa: {  	[smem:$0x3FA8] =	sst s2  }
0xb: {  	[smem:$0x3FA9] =	sst s3  }
0xc: {  	[smem:$0x3FAA] =	sst s4  }
0xd: {  	[smem:$0x3FAB] =	sst s5  }
0xe: {  	[smem:$0x3FAC] =	sst s6  }
0xf: {  	[smem:$0x3FAD] =	sst s7  }
0x10: {  	[smem:$0x3FAE] =	sst s8  }
0x11: {  	[smem:$0x3FAF] =	sst s9;
	s0 =	simm.s32 @!p0 $0x0  }
0x12: {  	s1 =	sld [smem:$0x3F95];
	s0 =	simm.s32 @p0 $0x1  }
0x13: {  	[smem:$0x3FB0] =	sst s0;
	s0 =	simm.s32 @!p1 $0x0  }
0x14: {  	s2 =	sld [smem:$0x3F94];
	s0 =	simm.s32 @p1 $0x1  }
0x15: {  	[smem:$0x3FB1] =	sst s0;
	s0 =	simm.s32 @!p2 $0x0  }
0x16: {  	s3 =	sld [smem:$0x3FDB];
	s0 =	simm.s32 @p2 $0x1  }
0x17: {  	s4 =	simm.s32 $0x1BF5;
	[smem:$0x3FB3] =	sst s0  }
0x18: {  	s0 =	sld [smem:$0x3F96];
	_ =	swait.ge [sflag:s4], $0x0  }
0x19: {  	s7 =	sld [smem:$0x3F97]  }
0x1a: {  	s8 =	sadd.s32 $0xFFFFE003, lr  }
0x1b: {  	s9 =	sadd.s32 $0xFFFFFEF7, lr;
	s5 =	simm.s32 $0xFFFFFFFF;
	p2 =	slt.u32 s8, $0xFFFFF086  }
0x1c: {  	p1 =	slt.u32 s9, $0xF7A;
	s5 =	simm.s32 @!p2 $0x0  }
0x1d: {  	s5 =	simm.s32 @p1 $0x1;
	p0 =	seq.s32 s7, s2  }
0x1e: {  	s7 =	smul.u32 @!p0 $0xF7A, s2;
	p2 =	seq.s32 @!p0 s5, $0x0  }
0x1f: {  	s9 =	smul.u32 $0xF7A, s1;
	s8 =	simm.s32 @!p0 $0x1BF5;
	p2 =	por !p2, p0  }
0x20: {  	[sflag:s8] =	ssyncset.s32 @!p0 $0xFFFFF086;
	s6 =	sadd.s32 @!p0 s3, s7;
	s7 =	simm.s32 @!p0 $0x108  }
0x21: {  	s3 =	sadd.s32 s3, s9;
	s6 =	sadd.s32 @!p0 $0x88, s6;
	s7 =	simm.s32 @p2 $0x1082  }
0x22: {  	[simem:s7], [sflag:s8] =	dma.local @!p0 [hbm:s6], $0xF7A  }
0x23: {  	s9 =	sor.u32 $0xD0000000, s2;
	s6 =	simm.s32 $0x108;
	_ =	swait.ge @!p0 [sflag:s8], $0x0  }
0x24: {  	s3 =	sadd.s32 $0x88, s3;
	s6 =	simm.s32 @!p1 $0x1082;
	[sflag:s4] =	ssyncset.s32 $0xFFFFF086  }
0x25: {  	[simem:s6], [sflag:s4] =	dma.local [hbm:s3], $0xF7A  }
0x26: {  	[smem:$0x3F97] =	sst s1;
	(tag) =	ssettag s2;
	_ =	strace s9  }
0x27: {  	s1 =	sld [smem:$0x3FA7]  }
0x28: {  	s2 =	sld [smem:$0x3FA8]  }
0x29: {  	s4 =	sld [smem:$0x3FAA]  }
0x2a: {  	p0 =	seq.s32 s5, $0x0;
	s5 =	sld [smem:$0x3FAB]  }
0x2b: {  	s6 =	sld [smem:$0x3FAC]  }
0x2c: {  	s7 =	sld [smem:$0x3FAD]  }
0x2d: {  	s3 =	simm.s32 $0x108;
	s8 =	sld [smem:$0x3FAE]  }
0x2e: {  	s3 =	simm.s32 @!p0 $0x1082;
	s9 =	sld [smem:$0x3FAF]  }
0x2f: {  	lr =	sadd.s32 s0, s3;
	s0 =	sld [smem:$0x3FA6]  }
0x30: {  	s3 =	sld [smem:$0x3FA9]  }
0x31: {  	[smem:$0x3FB2] =	sst s10  }
0x32: {  	s10 =	sld [smem:$0x3FB0];
	_ =	sdelay $0x3  }
0x33: {  	p0 =	seq.s32 s10, $0x1;
	s10 =	sld [smem:$0x3FB2];
	_ =	sdelay $0x3  }
0x34: {  	[smem:$0x3FB2] =	sst s10  }
0x35: {  	s10 =	sld [smem:$0x3FB1];
	_ =	sdelay $0x3  }
0x36: {  	p1 =	seq.s32 s10, $0x1;
	s10 =	sld [smem:$0x3FB2];
	_ =	sdelay $0x3  }
0x37: {  	[smem:$0x3FB2] =	sst s10  }
0x38: {  	s10 =	sld [smem:$0x3FB3]  }
0x39: {  	_ = 	snop;
	(pc) =	sbr.ind lr, $3  }
0x3a: {  	_ = 	snop  }
0x3b: {  	_ = 	snop  }
0x3c: {  	p2 =	seq.s32 s10, $0x1;
	s10 =	sld [smem:$0x3FB2]  }
0x3d: {  	_ =	shalt  }
0x3e: {  	_ =	shalt  }
0x3f: {  	_ =	shalt  }
0x40: {  	_ =	shalt  }
0x41: {  	_ =	shalt  }
0x42: {  	_ =	shalt  }
0x43: {  	_ =	shalt  }
0x44: {  	_ =	shalt  }
0x45: {  	_ =	shalt  }
0x46: {  	_ =	shalt  }
0x47: {  	_ =	shalt  }
0x48: {  	_ =	shalt  }
0x49: {  	_ =	shalt  }
0x4a: {  	_ =	shalt  }
0x4b: {  	_ =	shalt  }
0x4c: {  	_ =	shalt  }
0x4d: {  	_ =	shalt  }
0x4e: {  	_ =	shalt  }
0x4f: {  	_ =	shalt  }
0x50: {  	_ =	shalt  }
0x51: {  	_ =	shalt  }
0x52: {  	_ =	shalt  }
0x53: {  	_ =	shalt  }
0x54: {  	_ =	shalt  }
0x55: {  	_ =	shalt  }
0x56: {  	_ =	shalt  }
0x57: {  	_ =	shalt  }
0x58: {  	_ =	shalt  }
0x59: {  	_ =	shalt  }
0x5a: {  	_ =	shalt  }
0x5b: {  	_ =	shalt  }
0x5c: {  	_ =	shalt  }
0x5d: {  	_ =	shalt  }
0x5e: {  	_ =	shalt  }
0x5f: {  	_ =	shalt  }
0x60: {  	_ =	shalt  }
0x61: {  	_ =	shalt  }
0x62: {  	_ =	shalt  }
0x63: {  	_ =	shalt  }
0x64: {  	_ =	shalt  }
0x65: {  	_ =	shalt  }
0x66: {  	_ =	shalt  }
0x67: {  	_ =	shalt  }
0x68: {  	_ =	shalt  }
0x69: {  	_ =	shalt  }
0x6a: {  	_ =	shalt  }
0x6b: {  	_ =	shalt  }
0x6c: {  	_ =	shalt  }
0x6d: {  	_ =	shalt  }
0x6e: {  	_ =	shalt  }
0x6f: {  	_ =	shalt  }
0x70: {  	_ =	shalt  }
0x71: {  	_ =	shalt  }
0x72: {  	_ =	shalt  }
0x73: {  	_ =	shalt  }
0x74: {  	_ =	shalt  }
0x75: {  	_ =	shalt  }
0x76: {  	_ =	shalt  }
0x77: {  	_ =	shalt  }
0x78: {  	_ =	shalt  }
0x79: {  	_ =	shalt  }
0x7a: {  	_ =	shalt  }
0x7b: {  	_ =	shalt  }
0x7c: {  	_ =	shalt  }
0x7d: {  	_ =	shalt  }
0x7e: {  	_ =	shalt  }
0x7f: {  	_ =	shalt  }
0x80: {  	_ =	shalt  }
0x81: {  	_ =	shalt  }
0x82: {  	_ =	shalt  }
0x83: {  	_ =	shalt  }
0x84: {  	_ =	shalt  }
0x85: {  	_ =	shalt  }
0x86: {  	_ =	shalt  }
0x87: {  	_ =	shalt  }
.Lfunc_end0:
.L_simem_size_0:
called_computation.1_lowered:
.L_overlay_start_0:
0x88: {  	s2 =	sld [smem:$0x3FD9]  }
0x89: {  	s3 =	sld [smem:$0x3FFE];
	_ =	sdelay $0x1  }
0x8a: {  	s1 =	srdreg.scid  }
0x8b: {  	s0 =	sand.u32 $0x1, s1  }
0x8c: {  	s16 =	sshll.u32 s0, $0xA;
	s2 =	sadd.s32 s3, s2  }
0x8d: {  	s2 =	sadd.s32 s2, s16  }
0x8e: {  	[smem:$0x3FBE] =	sst s2  }
0x8f: {  	_ = 	snop  }
0x90: {  	(tm) =	ssettm $0x1  }
0x91: {  	s17 =	sld [smem:$0x3FFB];
	_ =	sdelay $0x3  }
0x92: {  	_ =	strace s17  }
0x93: {  	s2 =	sld [smem:$0x3FFC];
	_ =	sdelay $0x3  }
0x94: {  	_ =	strace s2  }
0x95: {  	s2 =	sld [smem:$0x3FFD];
	_ =	sdelay $0x3  }
0x96: {  	_ =	strace s2  }
0x97: {  	_ =	strace $0x8FFFFFFF  }
0x98: {  	s18 =	sld [smem:$0x3FDB];
	_ =	sdelay $0x1  }
0x99: {  	s19 =	simm.s32 $_scs_section_size  }
0x9a: {  	s4 =	simm.s32 $_size__tile_overlayer_lowered;
	s5 =	simm.s32 $_tile_overlayer_lowered  }
0x9b: {  	s22 =	simm.s32 $0x1BFF;
	s21 =	sshll.u32 s5, $0x1;
	s2 =	sadd.s32 s19, s18  }
0x9c: {  	s6 =	simm.s32 $0x0;
	s20 =	sshll.u32 s4, $0x1;
	s4 =	sadd.s32 s21, s2  }
0x9d: {  	[timem:s6], [sflag:s22] =	dma.local [hbm:s4], s20  }
0x9e: {  	_ =	swait.ge [sflag:s22], s20  }
0x9f: {  	s3 =	ssub.s32 $0x0, s20;
	[sflag:s22] =	ssyncset.done $0x0  }
0xa0: {  	[sflag:s22] =	ssyncadd.s32 s3;
	_ =	sdelay $0x1  }
0xa1: {  	s23 =	simm.s32 $0x1B8B  }
0xa2: {  	_ =	swait.ge [sflag:s23], $0x1  }
0xa3: {  	[sflag:s23] =	ssyncset.done $0x0  }
0xa4: {  	s25 =	simm.s32 $0x1B8E;
	s24 =	sld [smem:$0x3FFE];
	[sflag:s23] =	ssyncadd.s32 $0xFFFFFFFF  }
0xa5: {  	s26 =	simm.s32 $execute0_lowered;
	[smem:$0x3FD2] =	sst s25  }
0xa6: {  	s4 =	sshll.u32 s26, $0x1;
	_ =	strace $0x80000049;
	[dreg:$0x1] =	wrdreg $0xFFFFFFFF  }
0xa7: {  	s28 =	simm.s32 $_size_execute0_lowered;
	s2 =	sadd.s32 s2, s4;
	[dreg:$0x0] =	wrdreg $0x0  }
0xa8: {  	s4 =	sshll.u32 s28, $0x1;
	[dreg:$0x2] =	wrdreg s2  }
0xa9: {  	[dreg:$0x3] =	wrdreg s4  }
0xaa: {  	[dreg:$0x4] =	wrdreg $0xC0  }
0xab: {  	_ =	task [dreg:s6], $0x5FFFF  }
0xac: {  	[dreg:$0x1] =	wrdreg $0xFFFFFFFF  }
0xad: {  	[dreg:$0x0] =	wrdreg $0x60  }
0xae: {  	[dreg:$0x2] =	wrdreg s24  }
0xaf: {  	[dreg:$0x3] =	wrdreg $0x90000  }
0xb0: {  	[dreg:$0x4] =	wrdreg $0x9  }
0xb1: {  	_ =	task.clear_ibuf [dreg:s6], $0x5FFFF;
	_ =	strace $0x90000049  }
0xb2: {  	s29 =	simm.s32 $0x9;
	_ =	strace $0x8000004B  }
0xb3: {  	_ =	swait.ge [sflag:s29], $0x1  }
0xb4: {  	[sflag:s29] =	ssyncadd.s32 $0xFFFFFFFF  }
0xb5: {  	_ =	strace $0x9000004B  }
0xb6: {  	_ =	sfence  }
0xb7: {  	s30 =	sld [smem:$0x0];
	_ =	sdelay $0x2  }
0xb8: {  	s31 =	sshll.u32 s1, $0xD;
	s1 =	sshrl.u32 s1, $0x2  }
0xb9: {  	s3 =	sand.u32 $0x4000, s31;
	s1 =	sadd.s32 s1, s30  }
0xba: {  	s0 =	sor.u32 s3, s0;
	s1 =	sshll.u32 s1, $0x11  }
0xbb: {  	s0 =	sor.u32 s1, s0  }
0xbc: {  	s0 =	sadd.s32 $0x8F2B, s0  }
0xbd: {  	[sflag:s0] =	ssyncadd.remote.s32 $0x1  }
0xbe: {  	_ =	sfence.sel $0xFFFF  }
0xbf: {  	[dreg:$0x0] =	wrdreg $0xFFFFFFFF;
	(pc) =	sbr.abs _section_cstart, $3  }
0xc0: {  	[dreg:$0x1] =	wrdreg $0xFFFFFFFF  }
0xc1: {  	_ =	task.clear_ibuf [dreg:s6], $0x2FFFF;
	_ =	strace $0x9FFFFFFF  }
0xc2: {  	(tm) =	ssettm $0x7FFFFFFF  }
0xc3: {  	_ =	shalt  }
tec
execute0_lowered:
.L_overlay_start_1:
0x0: {  	(tag) =	ssettag $0x1  }
0x1: {  	s1 =	srdreg.scid;
	s6 =	rddreg [dreg:$0x0]  }
0x2: {  	s0 =	stileid.u32;
	s2 =	rddreg [dreg:$0x1]  }
0x3: {  	s3 =	simm.s32 $0x0;
	s14 =	simm.s32 $0x80;
	s15 =	simm.s32 $0x5000  }
0x4: {  	s16 =	simm.s32 $0x0;
	s5 =	sand.u32 $0x1, s1;
	s24 =	sshll.u32 s0, $0x1  }
0x5: {  	s8 =	smul.u32 $0x2800, s0;
	[smem:$0x7FF] =	sst s3;
	s4 =	sadd.s32 $0xB9E00, s6  }
0x6: {  	s28 =	smul.u32 $0x50000, s0;
	s31 =	sshll.u32 s0, $0x6;
	s1 =	sor.u32 s5, s24  }
0x7: {  	s9 =	smul.u32 $0x28000, s5;
	s26 =	ssub.s32 $0x2, s5;
	s5 =	sadd.s32 $0x16E00, s6  }
0x8: {  	s7 =	smul.u32 $0x500, s1;
	s1 =	rddreg [dreg:$0x2];
	_ =	strace $0x8000004A  }
0x9: {  	s29 =	sshrl.u32 s26, $0x1;
	s30 =	sshrl.u32 s28, $0x2;
	s25 =	sadd.s32 s8, s9  }
0xa: {  	s12 =	ssub.s32 s26, s29;
	s13 =	sadd.s32 s30, s2;
	s10 =	sadd.s32 s7, s6  }
0xb: {  	s11 =	sadd.s32 s25, s6;
	s6 =	sor.u32 $0x1C01, s31;
	s7 =	sadd.s32 $0xCE00, s10  }
0xc: {  	s8 =	sadd.s32 $0x2E00, s10;
	s9 =	sadd.s32 $0xE1E00, s11;
	s10 =	smax.u32 s12, $0x1  }
0xd: {  	s11 =	sshrl.u32 s13, $0x3;
	s12 =	simm.s32 $0x1;
	s13 =	simm.s32 $0x2800  }
.LBB2_1:
0xe: {  	[spmem:s11], [sflag:s6] =	dma.local [hbm:s5], $0x2800  }
0xf: {  	_ =	swait.ge [sflag:s12], $0x2800  }
0x10: {  	[sflag:s12] =	ssyncset.done $0x0  }
0x11: {  	[sflag:s12] =	ssyncadd.s32 $0xFFFFD800  }
0x12: {  	[tilespmem:s3], [sflag:$0x1] =	stream.linear.gather [hbm4b:s7+s3], $0x2800, $0x38;
	[tilespmem:$0x1D000] =	vst v63  }
0x13: {  	_ =	swait.ge [sflag:s12], $0x2800  }
0x14: {  	[sflag:s12] =	ssyncset.done $0x0  }
0x15: {  	[sflag:s12] =	ssyncadd.s32 $0xFFFFD800  }
0x16: {  	[tilespmem:s13], [sflag:$0x1] =	stream.linear.gather [hbm4b:s8+s3], $0x2800, $0x38;
	[tilespmem:$0x1D000] =	vst v63  }
0x17: {  	_ =	swait.ge [sflag:s12], $0x2800  }
0x18: {  	[sflag:s12] =	ssyncset.done $0x0  }
0x19: {  	[sflag:s12] =	ssyncadd.s32 $0xFFFFD800  }
0x1a: {  	s17 =	simm.s32 $0x0;
	[bflag:$0x0] =	sbarrier.arrive $0xFFFF  }
0x1b: {  	[tilespmem:s15], [sflag:$0x1] =	stream.indirect.gather [hbm4b:s4+s14], $0x80, s17, s14, $0xb8;
	[tilespmem:$0x1D000] =	vst v63  }
0x1c: {  	_ =	swait.ge [sflag:s12], $0x4000  }
0x1d: {  	[sflag:s12] =	ssyncset.done $0x0  }
0x1e: {  	s31 =	simm.s32 $0x2800;
	[sflag:s12] =	ssyncadd.s32 $0xFFFFC000  }
0x1f: {  	[spmem:s2] =	stream.indirect.scatter.add.f32 [tilespmem:s15], [sflag:$0x1], $0x80, s31, s14, $0xb8;
	[tilespmem:$0x1D000] =	vst v63  }
0x20: {  	_ =	swait.ge [sflag:s12], $0x4000  }
0x21: {  	s18 =	simm.s32 $0x400;
	s17 =	simm.s32 $0x200;
	[sflag:s12] =	ssyncset.done $0x0  }
.LBB2_2:
0x22: {  	s19 =	sshra.s32 s17, $0x2  }
0x23: {  	[sflag:s12] =	ssyncadd.s32 $0xFFFFC000;
	s17 =	smov.u32 s18;
	s20 =	sadd.s32 $0x200, s18  }
0x24: {  	[tilespmem:s15], [sflag:$0x1] =	stream.indirect.gather [hbm4b:s4+s14], $0x80, s19, s14, $0xb8;
	[tilespmem:$0x1D000] =	vst v63  }
0x25: {  	p0 =	sne.s32 s18, $0x9E00;
	_ =	swait.ge [sflag:s12], $0x4000  }
.Ltmp0:
0x26: {  	[sflag:s12] =	ssyncset.done $0x0;
	(pc) =	sbr.rel @p0 .LBB2_2-.Ltmp0, $4  }
0x27: {  	s18 =	sadd.s32 $0x2800, s19;
	[sflag:s12] =	ssyncadd.s32 $0xFFFFC000  }
0x28: {  	[spmem:s2] =	stream.indirect.scatter.add.f32 [tilespmem:s15], [sflag:$0x1], $0x80, s18, s14, $0xb8;
	[tilespmem:$0x1D000] =	vst v63  }
0x29: {  	_ =	swait.ge [sflag:s12], $0x4000  }
0x2a: {  	s18 =	smov.u32 s20;
	[sflag:s12] =	ssyncset.done $0x0  }
0x2b: {  	s17 =	sshra.s32 s17, $0x2;
	[sflag:s12] =	ssyncadd.s32 $0xFFFFC000  }
0x2c: {  	[tilespmem:s15], [sflag:$0x1] =	stream.indirect.gather [hbm4b:s4+s14], $0x80, s17, s14, $0xb8;
	[tilespmem:$0x1D000] =	vst v63  }
0x2d: {  	_ =	swait.ge [sflag:s12], $0x4000  }
0x2e: {  	[sflag:s12] =	ssyncset.done $0x0  }
0x2f: {  	s17 =	sadd.s32 $0x2800, s17;
	[sflag:s12] =	ssyncadd.s32 $0xFFFFC000  }
0x30: {  	[spmem:s2] =	stream.indirect.scatter.add.f32 [tilespmem:s15], [sflag:$0x1], $0x80, s17, s14, $0xb8;
	[tilespmem:$0x1D000] =	vst v63  }
0x31: {  	_ =	swait.ge [sflag:s12], $0x4000  }
0x32: {  	s16 =	sadd.s32 $0x1, s16;
	[sflag:s12] =	ssyncset.done $0x0  }
0x33: {  	p0 =	sne.s32 s16, s10;
	[sflag:s12] =	ssyncadd.s32 $0xFFFFC000  }
.Ltmp1:
0x34: {  	[bflag:$0x0] =	sbarrier.arrive $0xFFFF;
	(pc) =	sbr.rel @p0 .LBB2_1-.Ltmp1, $4  }
0x35: {  	[hbm:s9], [sflag:s6] =	dma.local [spmem:s11], $0x2800  }
0x36: {  	_ =	swait.ge [sflag:s12], $0x2800  }
0x37: {  	[sflag:s12] =	ssyncset.done $0x0  }
0x38: {  	[sflag:s12] =	ssyncadd.s32 $0xFFFFD800  }
0x39: {  	_ =	sfence.sel $0x180000  }
0x3a: {  	[bflag:$0x0] =	sbarrier.arrive $0xFFFF  }
0x3b: {  	p0 =	sne.s32 s0, $0x0;
	_ =	strace $0x9000004A  }
0x3c: {  	s0 =	sadd.s32 @!p0 $0x100000, s1;
	[bflag:$0x2] =	sbarrier.arrive $0xFFFF  }
0x3d: {  	[sflag:s0] =	ssyncadd.tile.s32 @!p0 $0x1;
	_ =	shalt  }
.Lfunc_end2:
_tile_overlayer_lowered:
.L_overlay_start_2:
0x3e: {  	(tag) =	ssettag $0x2  }
0x3f: {  	s0 =	rddreg [dreg:$0x0];
	s2 =	stileid.u32  }
0x40: {  	s1 =	rddreg [dreg:$0x1];
	p0 =	sne.s32 s2, $0x0  }
0x41: {  	s3 =	rddreg [dreg:$0x2];
	[bflag:$0x3] =	sbarrier.arrive $0xFFFF;
	s2 =	simm.s32 @!p0 $0x1C01  }
0x42: {  	[timem:s3], [sflag:s2] =	dma.local @!p0 [hbm:s0], s1  }
0x43: {  	s0 =	simm.s32 @!p0 $0x1  }
0x44: {  	_ =	swait.ge @!p0 [sflag:s0], s1  }
0x45: {  	s1 =	ssub.s32 @!p0 $0x0, s1;
	[sflag:s0] =	ssyncset.done @!p0 $0x0  }
0x46: {  	[sflag:s0] =	ssyncadd.s32 @!p0 s1  }
0x47: {  	[bflag:$0x3] =	sbarrier.arrive $0xFFFF  }
0x48: {  	_ =	shalt  }

// kernel: kernel.7.cloned.1.call-start
scs
__scs_entry_jumppad:
0x0: {  	(pc) =	sbr.rel $0x88, $3  }
0x1: {  	(tag) =	ssettag $0x0;
	lr =	simm.s32 $0x1  }
0x2: {  	[smem:$0x3F97] =	sst lr;
	_ =	strace $0xD0000000  }
0x3: {  	_ = 	snop  }
0x4: {  	_ = 	snop  }
0x5: {  	_ = 	snop  }
0x6: {  	_ = 	snop  }
0x7: {  	_ = 	snop  }
__scs_overlays_trampoline_lowered:
0x8: {  	[smem:$0x3FA6] =	sst s0  }
0x9: {  	[smem:$0x3FA7] =	sst s1  }
0xa: {  	[smem:$0x3FA8] =	sst s2  }
0xb: {  	[smem:$0x3FA9] =	sst s3  }
0xc: {  	[smem:$0x3FAA] =	sst s4  }
0xd: {  	[smem:$0x3FAB] =	sst s5  }
0xe: {  	[smem:$0x3FAC] =	sst s6  }
0xf: {  	[smem:$0x3FAD] =	sst s7  }
0x10: {  	[smem:$0x3FAE] =	sst s8  }
0x11: {  	[smem:$0x3FAF] =	sst s9;
	s0 =	simm.s32 @!p0 $0x0  }
0x12: {  	s1 =	sld [smem:$0x3F95];
	s0 =	simm.s32 @p0 $0x1  }
0x13: {  	[smem:$0x3FB0] =	sst s0;
	s0 =	simm.s32 @!p1 $0x0  }
0x14: {  	s2 =	sld [smem:$0x3F94];
	s0 =	simm.s32 @p1 $0x1  }
0x15: {  	[smem:$0x3FB1] =	sst s0;
	s0 =	simm.s32 @!p2 $0x0  }
0x16: {  	s3 =	sld [smem:$0x3FDB];
	s0 =	simm.s32 @p2 $0x1  }
0x17: {  	s4 =	simm.s32 $0x1BF5;
	[smem:$0x3FB3] =	sst s0  }
0x18: {  	s0 =	sld [smem:$0x3F96];
	_ =	swait.ge [sflag:s4], $0x0  }
0x19: {  	s7 =	sld [smem:$0x3F97]  }
0x1a: {  	s8 =	sadd.s32 $0xFFFFE003, lr  }
0x1b: {  	s9 =	sadd.s32 $0xFFFFFEF7, lr;
	s5 =	simm.s32 $0xFFFFFFFF;
	p2 =	slt.u32 s8, $0xFFFFF086  }
0x1c: {  	p1 =	slt.u32 s9, $0xF7A;
	s5 =	simm.s32 @!p2 $0x0  }
0x1d: {  	s5 =	simm.s32 @p1 $0x1;
	p0 =	seq.s32 s7, s2  }
0x1e: {  	s7 =	smul.u32 @!p0 $0xF7A, s2;
	p2 =	seq.s32 @!p0 s5, $0x0  }
0x1f: {  	s9 =	smul.u32 $0xF7A, s1;
	s8 =	simm.s32 @!p0 $0x1BF5;
	p2 =	por !p2, p0  }
0x20: {  	[sflag:s8] =	ssyncset.s32 @!p0 $0xFFFFF086;
	s6 =	sadd.s32 @!p0 s3, s7;
	s7 =	simm.s32 @!p0 $0x108  }
0x21: {  	s3 =	sadd.s32 s3, s9;
	s6 =	sadd.s32 @!p0 $0x88, s6;
	s7 =	simm.s32 @p2 $0x1082  }
0x22: {  	[simem:s7], [sflag:s8] =	dma.local @!p0 [hbm:s6], $0xF7A  }
0x23: {  	s9 =	sor.u32 $0xD0000000, s2;
	s6 =	simm.s32 $0x108;
	_ =	swait.ge @!p0 [sflag:s8], $0x0  }
0x24: {  	s3 =	sadd.s32 $0x88, s3;
	s6 =	simm.s32 @!p1 $0x1082;
	[sflag:s4] =	ssyncset.s32 $0xFFFFF086  }
0x25: {  	[simem:s6], [sflag:s4] =	dma.local [hbm:s3], $0xF7A  }
0x26: {  	[smem:$0x3F97] =	sst s1;
	(tag) =	ssettag s2;
	_ =	strace s9  }
0x27: {  	s1 =	sld [smem:$0x3FA7]  }
0x28: {  	s2 =	sld [smem:$0x3FA8]  }
0x29: {  	s4 =	sld [smem:$0x3FAA]  }
0x2a: {  	p0 =	seq.s32 s5, $0x0;
	s5 =	sld [smem:$0x3FAB]  }
0x2b: {  	s6 =	sld [smem:$0x3FAC]  }
0x2c: {  	s7 =	sld [smem:$0x3FAD]  }
0x2d: {  	s3 =	simm.s32 $0x108;
	s8 =	sld [smem:$0x3FAE]  }
0x2e: {  	s3 =	simm.s32 @!p0 $0x1082;
	s9 =	sld [smem:$0x3FAF]  }
0x2f: {  	lr =	sadd.s32 s0, s3;
	s0 =	sld [smem:$0x3FA6]  }
0x30: {  	s3 =	sld [smem:$0x3FA9]  }
0x31: {  	[smem:$0x3FB2] =	sst s10  }
0x32: {  	s10 =	sld [smem:$0x3FB0];
	_ =	sdelay $0x3  }
0x33: {  	p0 =	seq.s32 s10, $0x1;
	s10 =	sld [smem:$0x3FB2];
	_ =	sdelay $0x3  }
0x34: {  	[smem:$0x3FB2] =	sst s10  }
0x35: {  	s10 =	sld [smem:$0x3FB1];
	_ =	sdelay $0x3  }
0x36: {  	p1 =	seq.s32 s10, $0x1;
	s10 =	sld [smem:$0x3FB2];
	_ =	sdelay $0x3  }
0x37: {  	[smem:$0x3FB2] =	sst s10  }
0x38: {  	s10 =	sld [smem:$0x3FB3]  }
0x39: {  	_ = 	snop;
	(pc) =	sbr.ind lr, $3  }
0x3a: {  	_ = 	snop  }
0x3b: {  	_ = 	snop  }
0x3c: {  	p2 =	seq.s32 s10, $0x1;
	s10 =	sld [smem:$0x3FB2]  }
0x3d: {  	_ =	shalt  }
0x3e: {  	_ =	shalt  }
0x3f: {  	_ =	shalt  }
0x40: {  	_ =	shalt  }
0x41: {  	_ =	shalt  }
0x42: {  	_ =	shalt  }
0x43: {  	_ =	shalt  }
0x44: {  	_ =	shalt  }
0x45: {  	_ =	shalt  }
0x46: {  	_ =	shalt  }
0x47: {  	_ =	shalt  }
0x48: {  	_ =	shalt  }
0x49: {  	_ =	shalt  }
0x4a: {  	_ =	shalt  }
0x4b: {  	_ =	shalt  }
0x4c: {  	_ =	shalt  }
0x4d: {  	_ =	shalt  }
0x4e: {  	_ =	shalt  }
0x4f: {  	_ =	shalt  }
0x50: {  	_ =	shalt  }
0x51: {  	_ =	shalt  }
0x52: {  	_ =	shalt  }
0x53: {  	_ =	shalt  }
0x54: {  	_ =	shalt  }
0x55: {  	_ =	shalt  }
0x56: {  	_ =	shalt  }
0x57: {  	_ =	shalt  }
0x58: {  	_ =	shalt  }
0x59: {  	_ =	shalt  }
0x5a: {  	_ =	shalt  }
0x5b: {  	_ =	shalt  }
0x5c: {  	_ =	shalt  }
0x5d: {  	_ =	shalt  }
0x5e: {  	_ =	shalt  }
0x5f: {  	_ =	shalt  }
0x60: {  	_ =	shalt  }
0x61: {  	_ =	shalt  }
0x62: {  	_ =	shalt  }
0x63: {  	_ =	shalt  }
0x64: {  	_ =	shalt  }
0x65: {  	_ =	shalt  }
0x66: {  	_ =	shalt  }
0x67: {  	_ =	shalt  }
0x68: {  	_ =	shalt  }
0x69: {  	_ =	shalt  }
0x6a: {  	_ =	shalt  }
0x6b: {  	_ =	shalt  }
0x6c: {  	_ =	shalt  }
0x6d: {  	_ =	shalt  }
0x6e: {  	_ =	shalt  }
0x6f: {  	_ =	shalt  }
0x70: {  	_ =	shalt  }
0x71: {  	_ =	shalt  }
0x72: {  	_ =	shalt  }
0x73: {  	_ =	shalt  }
0x74: {  	_ =	shalt  }
0x75: {  	_ =	shalt  }
0x76: {  	_ =	shalt  }
0x77: {  	_ =	shalt  }
0x78: {  	_ =	shalt  }
0x79: {  	_ =	shalt  }
0x7a: {  	_ =	shalt  }
0x7b: {  	_ =	shalt  }
0x7c: {  	_ =	shalt  }
0x7d: {  	_ =	shalt  }
0x7e: {  	_ =	shalt  }
0x7f: {  	_ =	shalt  }
0x80: {  	_ =	shalt  }
0x81: {  	_ =	shalt  }
0x82: {  	_ =	shalt  }
0x83: {  	_ =	shalt  }
0x84: {  	_ =	shalt  }
0x85: {  	_ =	shalt  }
0x86: {  	_ =	shalt  }
0x87: {  	_ =	shalt  }
.Lfunc_end0:
.L_simem_size_0:
called_computation_lowered:
.L_overlay_start_0:
0x88: {  	s2 =	sld [smem:$0x3FD9]  }
0x89: {  	s3 =	sld [smem:$0x3FFE];
	_ =	sdelay $0x1  }
0x8a: {  	s1 =	srdreg.scid  }
0x8b: {  	s0 =	sand.u32 $0x1, s1  }
0x8c: {  	s16 =	sshll.u32 s0, $0xA;
	s2 =	sadd.s32 s3, s2  }
0x8d: {  	s2 =	sadd.s32 s2, s16  }
0x8e: {  	[smem:$0x3FBE] =	sst s2  }
0x8f: {  	_ = 	snop  }
0x90: {  	(tm) =	ssettm $0x1  }
0x91: {  	s17 =	sld [smem:$0x3FFB];
	_ =	sdelay $0x3  }
0x92: {  	_ =	strace s17  }
0x93: {  	s2 =	sld [smem:$0x3FFC];
	_ =	sdelay $0x3  }
0x94: {  	_ =	strace s2  }
0x95: {  	s2 =	sld [smem:$0x3FFD];
	_ =	sdelay $0x3  }
0x96: {  	_ =	strace s2  }
0x97: {  	_ =	strace $0x8FFFFFFF  }
0x98: {  	s18 =	sld [smem:$0x3FDB];
	_ =	sdelay $0x1  }
0x99: {  	s19 =	simm.s32 $_scs_section_size  }
0x9a: {  	s4 =	simm.s32 $_size__tile_overlayer_lowered;
	s5 =	simm.s32 $_tile_overlayer_lowered  }
0x9b: {  	s22 =	simm.s32 $0x1BFF;
	s21 =	sshll.u32 s5, $0x1;
	s2 =	sadd.s32 s19, s18  }
0x9c: {  	s6 =	simm.s32 $0x0;
	s20 =	sshll.u32 s4, $0x1;
	s4 =	sadd.s32 s21, s2  }
0x9d: {  	[timem:s6], [sflag:s22] =	dma.local [hbm:s4], s20  }
0x9e: {  	_ =	swait.ge [sflag:s22], s20  }
0x9f: {  	s3 =	ssub.s32 $0x0, s20;
	[sflag:s22] =	ssyncset.done $0x0  }
0xa0: {  	[sflag:s22] =	ssyncadd.s32 s3;
	_ =	sdelay $0x1  }
0xa1: {  	s23 =	simm.s32 $0x1B8B  }
0xa2: {  	_ =	swait.ge [sflag:s23], $0x1  }
0xa3: {  	[sflag:s23] =	ssyncset.done $0x0  }
0xa4: {  	s25 =	simm.s32 $0x1B8E;
	s24 =	sld [smem:$0x3FFE];
	[sflag:s23] =	ssyncadd.s32 $0xFFFFFFFF  }
0xa5: {  	s26 =	simm.s32 $execute0_lowered;
	[smem:$0x3FD2] =	sst s25  }
0xa6: {  	s4 =	sshll.u32 s26, $0x1;
	_ =	strace $0x80000046;
	[dreg:$0x1] =	wrdreg $0xFFFFFFFF  }
0xa7: {  	s28 =	simm.s32 $_size_execute0_lowered;
	s2 =	sadd.s32 s2, s4;
	[dreg:$0x0] =	wrdreg $0x0  }
0xa8: {  	s4 =	sshll.u32 s28, $0x1;
	[dreg:$0x2] =	wrdreg s2  }
0xa9: {  	[dreg:$0x3] =	wrdreg s4  }
0xaa: {  	[dreg:$0x4] =	wrdreg $0xC0  }
0xab: {  	_ =	task [dreg:s6], $0x5FFFF  }
0xac: {  	[dreg:$0x1] =	wrdreg $0xFFFFFFFF  }
0xad: {  	[dreg:$0x0] =	wrdreg $0x60  }
0xae: {  	[dreg:$0x2] =	wrdreg s24  }
0xaf: {  	[dreg:$0x3] =	wrdreg $0x68000  }
0xb0: {  	[dreg:$0x4] =	wrdreg $0x9  }
0xb1: {  	_ =	task.clear_ibuf [dreg:s6], $0x5FFFF;
	_ =	strace $0x90000046  }
0xb2: {  	s29 =	simm.s32 $0x9;
	_ =	strace $0x80000048  }
0xb3: {  	_ =	swait.ge [sflag:s29], $0x1  }
0xb4: {  	[sflag:s29] =	ssyncadd.s32 $0xFFFFFFFF  }
0xb5: {  	_ =	strace $0x90000048  }
0xb6: {  	_ =	sfence  }
0xb7: {  	s30 =	sld [smem:$0x0];
	_ =	sdelay $0x2  }
0xb8: {  	s31 =	sshll.u32 s1, $0xD;
	s1 =	sshrl.u32 s1, $0x2  }
0xb9: {  	s3 =	sand.u32 $0x4000, s31;
	s1 =	sadd.s32 s1, s30  }
0xba: {  	s0 =	sor.u32 s3, s0;
	s1 =	sshll.u32 s1, $0x11  }
0xbb: {  	s0 =	sor.u32 s1, s0  }
0xbc: {  	s0 =	sadd.s32 $0x8F2B, s0  }
0xbd: {  	[sflag:s0] =	ssyncadd.remote.s32 $0x1  }
0xbe: {  	_ =	sfence.sel $0xFFFF  }
0xbf: {  	[dreg:$0x0] =	wrdreg $0xFFFFFFFF;
	(pc) =	sbr.abs _section_cstart, $3  }
0xc0: {  	[dreg:$0x1] =	wrdreg $0xFFFFFFFF  }
0xc1: {  	_ =	task.clear_ibuf [dreg:s6], $0x2FFFF;
	_ =	strace $0x9FFFFFFF  }
0xc2: {  	(tm) =	ssettm $0x7FFFFFFF  }
0xc3: {  	_ =	shalt  }
tec
execute0_lowered:
.L_overlay_start_1:
0x0: {  	(tag) =	ssettag $0x1  }
0x1: {  	s1 =	srdreg.scid;
	s6 =	rddreg [dreg:$0x0]  }
0x2: {  	s0 =	stileid.u32;
	s2 =	rddreg [dreg:$0x1];
	s3 =	simm.s32 $0x0  }
0x3: {  	s13 =	simm.s32 $0x80;
	s14 =	simm.s32 $0x0;
	s7 =	sand.u32 $0x1, s1  }
0x4: {  	s26 =	sshll.u32 s0, $0x1;
	s1 =	rddreg [dreg:$0x2];
	s8 =	smul.u32 $0x2800, s0  }
0x5: {  	[smem:$0x7FF] =	sst s3;
	s11 =	smul.u32 $0x50000, s0;
	s5 =	sadd.s32 $0x16E00, s6  }
0x6: {  	s31 =	sshll.u32 s0, $0x6;
	s4 =	sor.u32 s7, s26;
	s9 =	smul.u32 $0x28000, s7  }
0x7: {  	_ =	strace $0x80000047;
	s7 =	ssub.s32 $0x2, s7;
	s4 =	smul.u32 $0x500, s4  }
0x8: {  	s28 =	sshrl.u32 s7, $0x1;
	s29 =	sshrl.u32 s11, $0x2;
	s11 =	simm.s32 $0x1  }
0x9: {  	s8 =	sadd.s32 s8, s9;
	s30 =	ssub.s32 s7, s28;
	s12 =	sadd.s32 s29, s2  }
0xa: {  	s10 =	sadd.s32 s4, s6;
	s4 =	sadd.s32 $0x19600, s6;
	s8 =	sadd.s32 s8, s6  }
0xb: {  	s6 =	sor.u32 $0x1C01, s31;
	s9 =	smax.u32 s30, $0x1;
	s7 =	sadd.s32 $0x2E00, s10  }
0xc: {  	s8 =	sadd.s32 $0x19E00, s8;
	s10 =	sshrl.u32 s12, $0x3;
	s12 =	simm.s32 $0x2800  }
.LBB2_1:
0xd: {  	[spmem:s10], [sflag:s6] =	dma.local [hbm:s5], $0x2800  }
0xe: {  	_ =	swait.ge [sflag:s11], $0x2800  }
0xf: {  	[sflag:s11] =	ssyncset.done $0x0  }
0x10: {  	[sflag:s11] =	ssyncadd.s32 $0xFFFFD800  }
0x11: {  	[tilespmem:s12], [sflag:$0x1] =	stream.linear.gather [hbm4b:s4+s3], $0x4000, $0x38;
	[tilespmem:$0x1A800] =	vst v63  }
0x12: {  	_ =	swait.ge [sflag:s11], $0x4000  }
0x13: {  	[sflag:s11] =	ssyncset.done $0x0  }
0x14: {  	[sflag:s11] =	ssyncadd.s32 $0xFFFFC000  }
0x15: {  	[tilespmem:s3], [sflag:$0x1] =	stream.linear.gather [hbm4b:s7+s3], $0x2800, $0x38;
	[tilespmem:$0x1A800] =	vst v63  }
0x16: {  	_ =	swait.ge [sflag:s11], $0x2800  }
0x17: {  	[sflag:s11] =	ssyncset.done $0x0  }
0x18: {  	[sflag:s11] =	ssyncadd.s32 $0xFFFFD800  }
0x19: {  	s15 =	simm.s32 $0x0;
	[bflag:$0x0] =	sbarrier.arrive $0xFFFF  }
0x1a: {  	[spmem:s2] =	stream.indirect.scatter.add.f32 [tilespmem:s12], [sflag:$0x1], $0x80, s15, s13, $0xb8;
	[tilespmem:$0x1A800] =	vst v63  }
0x1b: {  	_ =	swait.ge [sflag:s11], $0x4000  }
0x1c: {  	s15 =	simm.s32 $0x200;
	[sflag:s11] =	ssyncset.done $0x0  }
.LBB2_2:
0x1d: {  	s16 =	sshra.s32 s15, $0x2;
	[sflag:s11] =	ssyncadd.s32 $0xFFFFC000;
	p0 =	sne.s32 s15, $0x9E00  }
0x1e: {  	[spmem:s2] =	stream.indirect.scatter.add.f32 [tilespmem:s12], [sflag:$0x1], $0x80, s16, s13, $0xb8;
	[tilespmem:$0x1A800] =	vst v63  }
.Ltmp0:
0x1f: {  	_ = 	snop;
	(pc) =	sbr.rel @p0 .LBB2_2-.Ltmp0, $4  }
0x20: {  	_ = 	snop  }
0x21: {  	s15 =	sadd.s32 $0x200, s15  }
0x22: {  	_ =	swait.ge [sflag:s11], $0x4000  }
0x23: {  	[sflag:s11] =	ssyncset.done $0x0  }
0x24: {  	s14 =	sadd.s32 $0x1, s14  }
0x25: {  	[sflag:s11] =	ssyncadd.s32 $0xFFFFC000;
	p0 =	sne.s32 s14, s9  }
.Ltmp1:
0x26: {  	[bflag:$0x0] =	sbarrier.arrive $0xFFFF;
	(pc) =	sbr.rel @p0 .LBB2_1-.Ltmp1, $4  }
0x27: {  	[hbm:s8], [sflag:s6] =	dma.local [spmem:s10], $0x2800  }
0x28: {  	_ =	swait.ge [sflag:s11], $0x2800  }
0x29: {  	[sflag:s11] =	ssyncset.done $0x0  }
0x2a: {  	[sflag:s11] =	ssyncadd.s32 $0xFFFFD800  }
0x2b: {  	_ =	sfence.sel $0x180000  }
0x2c: {  	[bflag:$0x0] =	sbarrier.arrive $0xFFFF  }
0x2d: {  	p0 =	sne.s32 s0, $0x0;
	_ =	strace $0x90000047  }
0x2e: {  	s0 =	sadd.s32 @!p0 $0x100000, s1;
	[bflag:$0x2] =	sbarrier.arrive $0xFFFF  }
0x2f: {  	[sflag:s0] =	ssyncadd.tile.s32 @!p0 $0x1;
	_ =	shalt  }
.Lfunc_end2:
_tile_overlayer_lowered:
.L_overlay_start_2:
0x30: {  	(tag) =	ssettag $0x2  }
0x31: {  	s0 =	rddreg [dreg:$0x0];
	s2 =	stileid.u32  }
0x32: {  	s1 =	rddreg [dreg:$0x1];
	p0 =	sne.s32 s2, $0x0  }
0x33: {  	s3 =	rddreg [dreg:$0x2];
	[bflag:$0x3] =	sbarrier.arrive $0xFFFF;
	s2 =	simm.s32 @!p0 $0x1C01  }
0x34: {  	[timem:s3], [sflag:s2] =	dma.local @!p0 [hbm:s0], s1  }
0x35: {  	s0 =	simm.s32 @!p0 $0x1  }
0x36: {  	_ =	swait.ge @!p0 [sflag:s0], s1  }
0x37: {  	s1 =	ssub.s32 @!p0 $0x0, s1;
	[sflag:s0] =	ssyncset.done @!p0 $0x0  }
0x38: {  	[sflag:s0] =	ssyncadd.s32 @!p0 s1  }
0x39: {  	[bflag:$0x3] =	sbarrier.arrive $0xFFFF  }
0x3a: {  	_ =	shalt  }

</sc_bundles>
